<compile_context>
chip_gen: v7x
topology: tpu7x:2x2x1
jax: 0.10.2.dev20260603
libtpu: 0.0.44.dev20260713+nightly
codegen_flags: <defaults>
</compile_context>

<pallas_src>
import functools

import jax
import jax.numpy as jnp
from jax import lax
from jax.experimental import pallas as pl
from jax.experimental.pallas import tpu as pltpu
from jax.experimental.pallas import tpu_sc as plsc

N_EMBED = 768
CLF_TOKEN = 40480
SEQ = 2048
NSEQ = 8
LANES = 16
SCAN_UNROLL = 4
DOT_UNROLL = 4


def _mc_head_body(ids_hbm, hid_hbm, wb_hbm, out_hbm,
                  ids_v, row_v, w_v, tmp_v,
                  sem0, sem1, sem2):
    w = lax.axis_index("s")
    iota = lax.iota(jnp.int32, LANES)

    HALF = SEQ // 2

    @pl.when(w < NSEQ)
    def _():
        c0 = pltpu.async_copy(ids_hbm.at[w, pl.ds(0, HALF)],
                              ids_v.at[pl.ds(0, HALF)], sem0)
        c1 = pltpu.async_copy(ids_hbm.at[w, pl.ds(HALF, HALF)],
                              ids_v.at[pl.ds(HALF, HALF)], sem1)
        cw = pltpu.async_copy(wb_hbm, w_v, sem2)

        iota_f = iota.astype(jnp.float32)
        neg1 = jnp.full((LANES,), -1.0, jnp.float32)

        def make_scan(base):
            def scan_body(i, accs):
                accs = list(accs)
                for u in range(SCAN_UNROLL):
                    off = base + i * (SCAN_UNROLL * LANES) + u * LANES
                    chunk = ids_v[pl.ds(off, LANES)]
                    idxs = iota_f + jnp.float32(off)
                    accs[u] = jnp.maximum(
                        accs[u], jnp.where(chunk == CLF_TOKEN, idxs, -1.0))
                return tuple(accs)
            return scan_body

        n_it = HALF // (SCAN_UNROLL * LANES)
        c0.wait()
        accs = lax.fori_loop(0, n_it, make_scan(0), (neg1,) * SCAN_UNROLL)
        c1.wait()
        accs = lax.fori_loop(0, n_it, make_scan(HALF), accs)
        acc = jnp.maximum(jnp.maximum(accs[0], accs[1]),
                          jnp.maximum(accs[2], accs[3]))
        pos_f = acc[0]
        for i in range(1, LANES):
            pos_f = jnp.maximum(pos_f, acc[i])
        pos = pos_f.astype(jnp.int32)

        pltpu.sync_copy(hid_hbm.at[w * SEQ + pos], row_v)
        cw.wait()

        zero = jnp.zeros((LANES,), jnp.float32)
        daccs = [zero] * DOT_UNROLL

        def dot_body(j, daccs):
            daccs = list(daccs)
            for u in range(DOT_UNROLL):
                off = j * (DOT_UNROLL * LANES) + u * LANES
                daccs[u] = daccs[u] + row_v[pl.ds(off, LANES)] * w_v[pl.ds(off, LANES)]
            return tuple(daccs)

        daccs = lax.fori_loop(0, N_EMBED // (DOT_UNROLL * LANES), dot_body,
                              tuple(daccs))
        dacc = (daccs[0] + daccs[1]) + (daccs[2] + daccs[3])
        lanes = [dacc[i] for i in range(LANES)]
        while len(lanes) > 1:
            lanes = [lanes[i] + lanes[i + 1] for i in range(0, len(lanes), 2)]
        logit = lanes[0]

        logit = logit + w_v[pl.ds(N_EMBED, LANES)][0]
        tmp_v[...] = jnp.full((LANES,), logit, jnp.float32)
        pltpu.sync_copy(tmp_v, out_hbm.at[w])


@jax.jit
def _mc_head(ids, hid, wb):
    mesh = plsc.VectorSubcoreMesh(core_axis_name="c", subcore_axis_name="s",
                                  num_cores=1)
    f = functools.partial(
        pl.kernel,
        mesh=mesh,
        out_type=jax.ShapeDtypeStruct((NSEQ, LANES), jnp.float32),
        scratch_types=[
            pltpu.VMEM((SEQ,), jnp.int32),
            pltpu.VMEM((N_EMBED,), jnp.float32),
            pltpu.VMEM((N_EMBED + LANES,), jnp.float32),
            pltpu.VMEM((LANES,), jnp.float32),
            pltpu.SemaphoreType.DMA,
            pltpu.SemaphoreType.DMA,
            pltpu.SemaphoreType.DMA,
        ],
    )(_mc_head_body)
    return f(ids, hid, wb)


def kernel(hidden, inputs, W, b):
    n_batch, n_choices = inputs.shape[0], inputs.shape[1]
    ids = inputs.reshape(NSEQ, SEQ, 2)[:, :, 0]
    hid = hidden.reshape(NSEQ * SEQ, N_EMBED)
    wb = jnp.concatenate([W[:, 0], jnp.broadcast_to(b, (LANES,))])
    out = _mc_head(ids, hid, wb)
    return out[:, 0].reshape(n_batch, n_choices)

# --- scband reference (transcript-rebuilt; emitter-appended) ---
"""Pipeline reference for scband-multiple-choice-head-37529424232770 (READ-ONLY COPY).

The authoritative reference and input builder live on the scoring server;
editing this copy changes nothing except your own understanding.
"""

import jax, jax.numpy as jnp
import numpy as np

N_EMBED = 768
CLF_TOKEN = 40480

def setup_inputs(seed: int = 0):
    key = jax.random.key(seed)
    k1, k2, k3, k4 = jax.random.split(key, 4)
    hidden = jax.random.normal(k1, (4, 2, 2048, N_EMBED), dtype=jnp.float32)
    # token ids in [0, CLF_TOKEN) so CLF_TOKEN never appears randomly; then place
    # exactly one clf_token at the last position of every sequence (as in GPT MC head)
    inputs = jax.random.randint(k2, (4, 2, 2048, 2), 0, CLF_TOKEN, dtype=jnp.int32)
    inputs = inputs.at[..., -1, 0].set(CLF_TOKEN)
    # Dense(1) params: kernel ~ N(0, 0.2), bias ~ N(0, 1) per keras initializers
    W = jax.random.normal(k3, (N_EMBED, 1), dtype=jnp.float32) * 0.2
    b = jax.random.normal(k4, (1,), dtype=jnp.float32)
    return {"hidden": hidden, "inputs": inputs, "W": W, "b": b}

def reference(hidden, inputs, W, b):
    n_choices = inputs.shape[1]
    # boolean_mask(clf_h, flat == clf_token): exactly one clf_token per sequence,
    # so the gather has a shape-static size of batch * n_choices rows, one per
    # sequence, in row-major order (matching np.nonzero on the flattened mask).
    mask = inputs[..., 0] == CLF_TOKEN
    pos = jnp.argmax(mask, axis=-1)
    clf_h = jnp.take_along_axis(hidden, pos[..., None, None], axis=2)
    clf_h = clf_h.reshape(-1, n_choices, N_EMBED, 1)
    # keras Dropout is identity in inference mode
    clf_h = clf_h.reshape(-1, N_EMBED)
    clf_logits = clf_h @ W + b
    return clf_logits.reshape(-1, n_choices)

if __name__ == "__main__":
    import jax
    _d = setup_inputs()
    print(jax.jit(kernel)(*tuple(_d.values())))

</pallas_src>

<mosaic_0001>
#map = affine_map<(d0, d1) -> (0, 0)>
#map1 = affine_map<(d0, d1) -> (0)>
module attributes {stable_mosaic.version = 14 : i64} {
  func.func @_mc_head_body(%arg0: i32, %arg1: i32, %arg2: memref<8x2048xi32, #tpu.memory_space<hbm>>, %arg3: memref<16384x768xf32, #tpu.memory_space<hbm>>, %arg4: memref<784xf32, #tpu.memory_space<hbm>>, %arg5: memref<8x16xf32, #tpu.memory_space<hbm>>, %arg6: memref<2048xi32, #tpu.memory_space<vmem>>, %arg7: memref<768xf32, #tpu.memory_space<vmem>>, %arg8: memref<784xf32, #tpu.memory_space<vmem>>, %arg9: memref<16xf32, #tpu.memory_space<vmem>>, %arg10: memref<!tpu.dma_semaphore, #tpu.memory_space<semaphore_mem>>, %arg11: memref<!tpu.dma_semaphore, #tpu.memory_space<semaphore_mem>>, %arg12: memref<!tpu.dma_semaphore, #tpu.memory_space<semaphore_mem>>) attributes {dimension_semantics = [#tpu.dimension_semantics<core_parallel>, #tpu.dimension_semantics<subcore_parallel>], iteration_bounds = array<i64: 1, 16>, scalar_prefetch = 0 : i64, scratch_operands = 7 : i64, tpu.core_type = #tpu.core_type<sc_vector_subcore>, window_params = [{transform_indices = #map}, {transform_indices = #map}, {transform_indices = #map1}, {transform_indices = #map}]} {
    %iota3A = tpu.iota {dimensions = array<i32: 0>} : vector<16xi32>
    %lt3A = arith.constant 8 : i32
    %lt3A_0 = arith.cmpi slt, %arg1, %lt3A : i32
    %convert_element_type3A = arith.extui %lt3A_0 : i1 to i32
    %cond3A = arith.constant 0 : i32
    %cond3A_1 = arith.cmpi ne, %convert_element_type3A, %cond3A : i32
    scf.if %cond3A_1 {
      %dma_start3A = arith.constant 0 : i32
      %dma_start3A_2 = tpu.memref_slice %arg6[%dma_start3A] : memref<2048xi32, #tpu.memory_space<vmem>> -> memref<1024xi32, #tpu.memory_space<vmem>>
      %dma_start3A_3 = arith.constant 0 : i32
      %dma_start3A_4 = tpu.memref_slice %arg2[%arg1, %dma_start3A_3] : memref<8x2048xi32, #tpu.memory_space<hbm>> -> memref<1x1024xi32, #tpu.memory_space<hbm>>
      %dma_start3A_5 = tpu.memref_squeeze %dma_start3A_4 : memref<1x1024xi32, #tpu.memory_space<hbm>> -> memref<1024xi32, #tpu.memory_space<hbm>>
      %dma_start3A_6 = arith.constant 0 : i32
      %dma_start3A_7 = tpu.memref_slice %arg6[%dma_start3A_6] : memref<2048xi32, #tpu.memory_space<vmem>> -> memref<1024xi32, #tpu.memory_space<vmem>>
      %dma_start3A_8 = arith.constant 0 : i32
      %dma_start3A_9 = tpu.memref_slice %arg2[%arg1, %dma_start3A_8] : memref<8x2048xi32, #tpu.memory_space<hbm>> -> memref<1x1024xi32, #tpu.memory_space<hbm>>
      %dma_start3A_10 = tpu.memref_squeeze %dma_start3A_9 : memref<1x1024xi32, #tpu.memory_space<hbm>> -> memref<1024xi32, #tpu.memory_space<hbm>>
      tpu.enqueue_dma source(%dma_start3A_10 : memref<1024xi32, #tpu.memory_space<hbm>>) target(%dma_start3A_7 : memref<1024xi32, #tpu.memory_space<vmem>>) target_semaphore(%arg10 : memref<!tpu.dma_semaphore, #tpu.memory_space<semaphore_mem>>)
      %dma_start3A_11 = arith.constant 1024 : i32
      %dma_start3A_12 = tpu.memref_slice %arg6[%dma_start3A_11] : memref<2048xi32, #tpu.memory_space<vmem>> -> memref<1024xi32, #tpu.memory_space<vmem>>
      %dma_start3A_13 = arith.constant 1024 : i32
      %dma_start3A_14 = tpu.memref_slice %arg2[%arg1, %dma_start3A_13] : memref<8x2048xi32, #tpu.memory_space<hbm>> -> memref<1x1024xi32, #tpu.memory_space<hbm>>
      %dma_start3A_15 = tpu.memref_squeeze %dma_start3A_14 : memref<1x1024xi32, #tpu.memory_space<hbm>> -> memref<1024xi32, #tpu.memory_space<hbm>>
      %dma_start3A_16 = arith.constant 1024 : i32
      %dma_start3A_17 = tpu.memref_slice %arg6[%dma_start3A_16] : memref<2048xi32, #tpu.memory_space<vmem>> -> memref<1024xi32, #tpu.memory_space<vmem>>
      %dma_start3A_18 = arith.constant 1024 : i32
      %dma_start3A_19 = tpu.memref_slice %arg2[%arg1, %dma_start3A_18] : memref<8x2048xi32, #tpu.memory_space<hbm>> -> memref<1x1024xi32, #tpu.memory_space<hbm>>
      %dma_start3A_20 = tpu.memref_squeeze %dma_start3A_19 : memref<1x1024xi32, #tpu.memory_space<hbm>> -> memref<1024xi32, #tpu.memory_space<hbm>>
      tpu.enqueue_dma source(%dma_start3A_20 : memref<1024xi32, #tpu.memory_space<hbm>>) target(%dma_start3A_17 : memref<1024xi32, #tpu.memory_space<vmem>>) target_semaphore(%arg11 : memref<!tpu.dma_semaphore, #tpu.memory_space<semaphore_mem>>)
      tpu.enqueue_dma source(%arg4 : memref<784xf32, #tpu.memory_space<hbm>>) target(%arg8 : memref<784xf32, #tpu.memory_space<vmem>>) target_semaphore(%arg12 : memref<!tpu.dma_semaphore, #tpu.memory_space<semaphore_mem>>)
      %convert_element_type3A_21 = arith.sitofp %iota3A : vector<16xi32> to vector<16xf32>
      %broadcast_in_dim3A = arith.constant -1.000000e+00 : f32
      %broadcast_in_dim3A_22 = vector.broadcast %broadcast_in_dim3A : f32 to vector<16xf32>
      %dma_wait3A = arith.constant 0 : i32
      %dma_wait3A_23 = tpu.memref_slice %arg6[%dma_wait3A] : memref<2048xi32, #tpu.memory_space<vmem>> -> memref<1024xi32, #tpu.memory_space<vmem>>
      %dma_wait3A_24 = arith.constant 0 : i32
      %dma_wait3A_25 = tpu.memref_slice %arg2[%arg1, %dma_wait3A_24] : memref<8x2048xi32, #tpu.memory_space<hbm>> -> memref<1x1024xi32, #tpu.memory_space<hbm>>
      %dma_wait3A_26 = tpu.memref_squeeze %dma_wait3A_25 : memref<1x1024xi32, #tpu.memory_space<hbm>> -> memref<1024xi32, #tpu.memory_space<hbm>>
      %dma_wait3A_27 = arith.constant 0 : i32
      %dma_wait3A_28 = tpu.memref_slice %arg6[%dma_wait3A_27] : memref<2048xi32, #tpu.memory_space<vmem>> -> memref<1024xi32, #tpu.memory_space<vmem>>
      %dma_wait3A_29 = arith.constant 0 : i32
      %dma_wait3A_30 = tpu.memref_slice %arg2[%arg1, %dma_wait3A_29] : memref<8x2048xi32, #tpu.memory_space<hbm>> -> memref<1x1024xi32, #tpu.memory_space<hbm>>
      %dma_wait3A_31 = tpu.memref_squeeze %dma_wait3A_30 : memref<1x1024xi32, #tpu.memory_space<hbm>> -> memref<1024xi32, #tpu.memory_space<hbm>>
      tpu.wait_dma2 semaphore(%arg10 : memref<!tpu.dma_semaphore, #tpu.memory_space<semaphore_mem>>) src(%dma_wait3A_31 : memref<1024xi32, #tpu.memory_space<hbm>>) dst(%dma_wait3A_28 : memref<1024xi32, #tpu.memory_space<vmem>>)
      %scan3A = arith.constant 0 : i32
      %scan3A_32 = arith.constant 16 : i32
      %scan3A_33 = arith.addi %scan3A, %scan3A_32 : i32
      %scan3A_34 = arith.constant 1 : i32
      %scan3A_35:4 = scf.for %scan3A_169 = %scan3A to %scan3A_33 step %scan3A_34 iter_args(%scan3A_170 = %broadcast_in_dim3A_22, %scan3A_171 = %broadcast_in_dim3A_22, %scan3A_172 = %broadcast_in_dim3A_22, %scan3A_173 = %broadcast_in_dim3A_22) -> (vector<16xf32>, vector<16xf32>, vector<16xf32>, vector<16xf32>)  : i32 {
        %mul3A_174 = arith.constant 64 : i32
        %mul3A_175 = arith.muli %scan3A_169, %mul3A_174 : i32
        %add3A_176 = arith.constant 0 : i32
        %add3A_177 = arith.addi %add3A_176, %mul3A_175 : i32
        %add3A_178 = arith.constant 0 : i32
        %add3A_179 = arith.addi %add3A_177, %add3A_178 : i32
        %get3A_180 = arith.index_cast %add3A_179 : i32 to index
        %get3A_181 = tpu.vector_load %arg6[%get3A_180] {strides = array<i32>} : memref<2048xi32, #tpu.memory_space<vmem>>, vector<16xi32>,
        %get3A_182 = vector.shape_cast %get3A_181 : vector<16xi32> to vector<16xi32>
        %convert_element_type3A_183 = arith.sitofp %add3A_179 : i32 to f32
        %add3A_184 = vector.broadcast %convert_element_type3A_183 : f32 to vector<16xf32>
        %add3A_185 = arith.addf %convert_element_type3A_21, %add3A_184 : vector<16xf32>
        %eq3A = arith.constant 40480 : i32
        %eq3A_186 = vector.broadcast %eq3A : i32 to vector<16xi32>
        %eq3A_187 = arith.cmpi eq, %get3A_182, %eq3A_186 : vector<16xi32>
        %jit3A = arith.constant -1.000000e+00 : f32
        %broadcast_in_dim3A_188 = vector.broadcast %jit3A : f32 to vector<16xf32>
        %select_n3A = arith.select %eq3A_187, %add3A_185, %broadcast_in_dim3A_188 : vector<16xi1>, vector<16xf32>
        %max3A_189 = arith.maximumf %scan3A_170, %select_n3A : vector<16xf32>
        %mul3A_190 = arith.constant 64 : i32
        %mul3A_191 = arith.muli %scan3A_169, %mul3A_190 : i32
        %add3A_192 = arith.constant 0 : i32
        %add3A_193 = arith.addi %add3A_192, %mul3A_191 : i32
        %add3A_194 = arith.constant 16 : i32
        %add3A_195 = arith.addi %add3A_193, %add3A_194 : i32
        %get3A_196 = arith.index_cast %add3A_195 : i32 to index
        %get3A_197 = tpu.vector_load %arg6[%get3A_196] {strides = array<i32>} : memref<2048xi32, #tpu.memory_space<vmem>>, vector<16xi32>,
        %get3A_198 = vector.shape_cast %get3A_197 : vector<16xi32> to vector<16xi32>
        %convert_element_type3A_199 = arith.sitofp %add3A_195 : i32 to f32
        %add3A_200 = vector.broadcast %convert_element_type3A_199 : f32 to vector<16xf32>
        %add3A_201 = arith.addf %convert_element_type3A_21, %add3A_200 : vector<16xf32>
        %eq3A_202 = arith.constant 40480 : i32
        %eq3A_203 = vector.broadcast %eq3A_202 : i32 to vector<16xi32>
        %eq3A_204 = arith.cmpi eq, %get3A_198, %eq3A_203 : vector<16xi32>
        %jit3A_205 = arith.constant -1.000000e+00 : f32
        %broadcast_in_dim3A_206 = vector.broadcast %jit3A_205 : f32 to vector<16xf32>
        %select_n3A_207 = arith.select %eq3A_204, %add3A_201, %broadcast_in_dim3A_206 : vector<16xi1>, vector<16xf32>
        %max3A_208 = arith.maximumf %scan3A_171, %select_n3A_207 : vector<16xf32>
        %mul3A_209 = arith.constant 64 : i32
        %mul3A_210 = arith.muli %scan3A_169, %mul3A_209 : i32
        %add3A_211 = arith.constant 0 : i32
        %add3A_212 = arith.addi %add3A_211, %mul3A_210 : i32
        %add3A_213 = arith.constant 32 : i32
        %add3A_214 = arith.addi %add3A_212, %add3A_213 : i32
        %get3A_215 = arith.index_cast %add3A_214 : i32 to index
        %get3A_216 = tpu.vector_load %arg6[%get3A_215] {strides = array<i32>} : memref<2048xi32, #tpu.memory_space<vmem>>, vector<16xi32>,
        %get3A_217 = vector.shape_cast %get3A_216 : vector<16xi32> to vector<16xi32>
        %convert_element_type3A_218 = arith.sitofp %add3A_214 : i32 to f32
        %add3A_219 = vector.broadcast %convert_element_type3A_218 : f32 to vector<16xf32>
        %add3A_220 = arith.addf %convert_element_type3A_21, %add3A_219 : vector<16xf32>
        %eq3A_221 = arith.constant 40480 : i32
        %eq3A_222 = vector.broadcast %eq3A_221 : i32 to vector<16xi32>
        %eq3A_223 = arith.cmpi eq, %get3A_217, %eq3A_222 : vector<16xi32>
        %jit3A_224 = arith.constant -1.000000e+00 : f32
        %broadcast_in_dim3A_225 = vector.broadcast %jit3A_224 : f32 to vector<16xf32>
        %select_n3A_226 = arith.select %eq3A_223, %add3A_220, %broadcast_in_dim3A_225 : vector<16xi1>, vector<16xf32>
        %max3A_227 = arith.maximumf %scan3A_172, %select_n3A_226 : vector<16xf32>
        %mul3A_228 = arith.constant 64 : i32
        %mul3A_229 = arith.muli %scan3A_169, %mul3A_228 : i32
        %add3A_230 = arith.constant 0 : i32
        %add3A_231 = arith.addi %add3A_230, %mul3A_229 : i32
        %add3A_232 = arith.constant 48 : i32
        %add3A_233 = arith.addi %add3A_231, %add3A_232 : i32
        %get3A_234 = arith.index_cast %add3A_233 : i32 to index
        %get3A_235 = tpu.vector_load %arg6[%get3A_234] {strides = array<i32>} : memref<2048xi32, #tpu.memory_space<vmem>>, vector<16xi32>,
        %get3A_236 = vector.shape_cast %get3A_235 : vector<16xi32> to vector<16xi32>
        %convert_element_type3A_237 = arith.sitofp %add3A_233 : i32 to f32
        %add3A_238 = vector.broadcast %convert_element_type3A_237 : f32 to vector<16xf32>
        %add3A_239 = arith.addf %convert_element_type3A_21, %add3A_238 : vector<16xf32>
        %eq3A_240 = arith.constant 40480 : i32
        %eq3A_241 = vector.broadcast %eq3A_240 : i32 to vector<16xi32>
        %eq3A_242 = arith.cmpi eq, %get3A_236, %eq3A_241 : vector<16xi32>
        %jit3A_243 = arith.constant -1.000000e+00 : f32
        %broadcast_in_dim3A_244 = vector.broadcast %jit3A_243 : f32 to vector<16xf32>
        %select_n3A_245 = arith.select %eq3A_242, %add3A_239, %broadcast_in_dim3A_244 : vector<16xi1>, vector<16xf32>
        %max3A_246 = arith.maximumf %scan3A_173, %select_n3A_245 : vector<16xf32>
        scf.yield %max3A_189, %max3A_208, %max3A_227, %max3A_246 : vector<16xf32>, vector<16xf32>, vector<16xf32>, vector<16xf32>
      }
      %scan3A_36 = arith.constant 16 : i32
      %dma_wait3A_37 = arith.constant 1024 : i32
      %dma_wait3A_38 = tpu.memref_slice %arg6[%dma_wait3A_37] : memref<2048xi32, #tpu.memory_space<vmem>> -> memref<1024xi32, #tpu.memory_space<vmem>>
      %dma_wait3A_39 = arith.constant 1024 : i32
      %dma_wait3A_40 = tpu.memref_slice %arg2[%arg1, %dma_wait3A_39] : memref<8x2048xi32, #tpu.memory_space<hbm>> -> memref<1x1024xi32, #tpu.memory_space<hbm>>
      %dma_wait3A_41 = tpu.memref_squeeze %dma_wait3A_40 : memref<1x1024xi32, #tpu.memory_space<hbm>> -> memref<1024xi32, #tpu.memory_space<hbm>>
      %dma_wait3A_42 = arith.constant 1024 : i32
      %dma_wait3A_43 = tpu.memref_slice %arg6[%dma_wait3A_42] : memref<2048xi32, #tpu.memory_space<vmem>> -> memref<1024xi32, #tpu.memory_space<vmem>>
      %dma_wait3A_44 = arith.constant 1024 : i32
      %dma_wait3A_45 = tpu.memref_slice %arg2[%arg1, %dma_wait3A_44] : memref<8x2048xi32, #tpu.memory_space<hbm>> -> memref<1x1024xi32, #tpu.memory_space<hbm>>
      %dma_wait3A_46 = tpu.memref_squeeze %dma_wait3A_45 : memref<1x1024xi32, #tpu.memory_space<hbm>> -> memref<1024xi32, #tpu.memory_space<hbm>>
      tpu.wait_dma2 semaphore(%arg11 : memref<!tpu.dma_semaphore, #tpu.memory_space<semaphore_mem>>) src(%dma_wait3A_46 : memref<1024xi32, #tpu.memory_space<hbm>>) dst(%dma_wait3A_43 : memref<1024xi32, #tpu.memory_space<vmem>>)
      %scan3A_47 = arith.constant 0 : i32
      %scan3A_48 = arith.constant 16 : i32
      %scan3A_49 = arith.addi %scan3A_47, %scan3A_48 : i32
      %scan3A_50 = arith.constant 1 : i32
      %scan3A_51:4 = scf.for %scan3A_169 = %scan3A_47 to %scan3A_49 step %scan3A_50 iter_args(%scan3A_170 = %scan3A_35#0, %scan3A_171 = %scan3A_35#1, %scan3A_172 = %scan3A_35#2, %scan3A_173 = %scan3A_35#3) -> (vector<16xf32>, vector<16xf32>, vector<16xf32>, vector<16xf32>)  : i32 {
        %mul3A_174 = arith.constant 64 : i32
        %mul3A_175 = arith.muli %scan3A_169, %mul3A_174 : i32
        %add3A_176 = arith.constant 1024 : i32
        %add3A_177 = arith.addi %add3A_176, %mul3A_175 : i32
        %add3A_178 = arith.constant 0 : i32
        %add3A_179 = arith.addi %add3A_177, %add3A_178 : i32
        %get3A_180 = arith.index_cast %add3A_179 : i32 to index
        %get3A_181 = tpu.vector_load %arg6[%get3A_180] {strides = array<i32>} : memref<2048xi32, #tpu.memory_space<vmem>>, vector<16xi32>,
        %get3A_182 = vector.shape_cast %get3A_181 : vector<16xi32> to vector<16xi32>
        %convert_element_type3A_183 = arith.sitofp %add3A_179 : i32 to f32
        %add3A_184 = vector.broadcast %convert_element_type3A_183 : f32 to vector<16xf32>
        %add3A_185 = arith.addf %convert_element_type3A_21, %add3A_184 : vector<16xf32>
        %eq3A = arith.constant 40480 : i32
        %eq3A_186 = vector.broadcast %eq3A : i32 to vector<16xi32>
        %eq3A_187 = arith.cmpi eq, %get3A_182, %eq3A_186 : vector<16xi32>
        %jit3A = arith.constant -1.000000e+00 : f32
        %broadcast_in_dim3A_188 = vector.broadcast %jit3A : f32 to vector<16xf32>
        %select_n3A = arith.select %eq3A_187, %add3A_185, %broadcast_in_dim3A_188 : vector<16xi1>, vector<16xf32>
        %max3A_189 = arith.maximumf %scan3A_170, %select_n3A : vector<16xf32>
        %mul3A_190 = arith.constant 64 : i32
        %mul3A_191 = arith.muli %scan3A_169, %mul3A_190 : i32
        %add3A_192 = arith.constant 1024 : i32
        %add3A_193 = arith.addi %add3A_192, %mul3A_191 : i32
        %add3A_194 = arith.constant 16 : i32
        %add3A_195 = arith.addi %add3A_193, %add3A_194 : i32
        %get3A_196 = arith.index_cast %add3A_195 : i32 to index
        %get3A_197 = tpu.vector_load %arg6[%get3A_196] {strides = array<i32>} : memref<2048xi32, #tpu.memory_space<vmem>>, vector<16xi32>,
        %get3A_198 = vector.shape_cast %get3A_197 : vector<16xi32> to vector<16xi32>
        %convert_element_type3A_199 = arith.sitofp %add3A_195 : i32 to f32
        %add3A_200 = vector.broadcast %convert_element_type3A_199 : f32 to vector<16xf32>
        %add3A_201 = arith.addf %convert_element_type3A_21, %add3A_200 : vector<16xf32>
        %eq3A_202 = arith.constant 40480 : i32
        %eq3A_203 = vector.broadcast %eq3A_202 : i32 to vector<16xi32>
        %eq3A_204 = arith.cmpi eq, %get3A_198, %eq3A_203 : vector<16xi32>
        %jit3A_205 = arith.constant -1.000000e+00 : f32
        %broadcast_in_dim3A_206 = vector.broadcast %jit3A_205 : f32 to vector<16xf32>
        %select_n3A_207 = arith.select %eq3A_204, %add3A_201, %broadcast_in_dim3A_206 : vector<16xi1>, vector<16xf32>
        %max3A_208 = arith.maximumf %scan3A_171, %select_n3A_207 : vector<16xf32>
        %mul3A_209 = arith.constant 64 : i32
        %mul3A_210 = arith.muli %scan3A_169, %mul3A_209 : i32
        %add3A_211 = arith.constant 1024 : i32
        %add3A_212 = arith.addi %add3A_211, %mul3A_210 : i32
        %add3A_213 = arith.constant 32 : i32
        %add3A_214 = arith.addi %add3A_212, %add3A_213 : i32
        %get3A_215 = arith.index_cast %add3A_214 : i32 to index
        %get3A_216 = tpu.vector_load %arg6[%get3A_215] {strides = array<i32>} : memref<2048xi32, #tpu.memory_space<vmem>>, vector<16xi32>,
        %get3A_217 = vector.shape_cast %get3A_216 : vector<16xi32> to vector<16xi32>
        %convert_element_type3A_218 = arith.sitofp %add3A_214 : i32 to f32
        %add3A_219 = vector.broadcast %convert_element_type3A_218 : f32 to vector<16xf32>
        %add3A_220 = arith.addf %convert_element_type3A_21, %add3A_219 : vector<16xf32>
        %eq3A_221 = arith.constant 40480 : i32
        %eq3A_222 = vector.broadcast %eq3A_221 : i32 to vector<16xi32>
        %eq3A_223 = arith.cmpi eq, %get3A_217, %eq3A_222 : vector<16xi32>
        %jit3A_224 = arith.constant -1.000000e+00 : f32
        %broadcast_in_dim3A_225 = vector.broadcast %jit3A_224 : f32 to vector<16xf32>
        %select_n3A_226 = arith.select %eq3A_223, %add3A_220, %broadcast_in_dim3A_225 : vector<16xi1>, vector<16xf32>
        %max3A_227 = arith.maximumf %scan3A_172, %select_n3A_226 : vector<16xf32>
        %mul3A_228 = arith.constant 64 : i32
        %mul3A_229 = arith.muli %scan3A_169, %mul3A_228 : i32
        %add3A_230 = arith.constant 1024 : i32
        %add3A_231 = arith.addi %add3A_230, %mul3A_229 : i32
        %add3A_232 = arith.constant 48 : i32
        %add3A_233 = arith.addi %add3A_231, %add3A_232 : i32
        %get3A_234 = arith.index_cast %add3A_233 : i32 to index
        %get3A_235 = tpu.vector_load %arg6[%get3A_234] {strides = array<i32>} : memref<2048xi32, #tpu.memory_space<vmem>>, vector<16xi32>,
        %get3A_236 = vector.shape_cast %get3A_235 : vector<16xi32> to vector<16xi32>
        %convert_element_type3A_237 = arith.sitofp %add3A_233 : i32 to f32
        %add3A_238 = vector.broadcast %convert_element_type3A_237 : f32 to vector<16xf32>
        %add3A_239 = arith.addf %convert_element_type3A_21, %add3A_238 : vector<16xf32>
        %eq3A_240 = arith.constant 40480 : i32
        %eq3A_241 = vector.broadcast %eq3A_240 : i32 to vector<16xi32>
        %eq3A_242 = arith.cmpi eq, %get3A_236, %eq3A_241 : vector<16xi32>
        %jit3A_243 = arith.constant -1.000000e+00 : f32
        %broadcast_in_dim3A_244 = vector.broadcast %jit3A_243 : f32 to vector<16xf32>
        %select_n3A_245 = arith.select %eq3A_242, %add3A_239, %broadcast_in_dim3A_244 : vector<16xi1>, vector<16xf32>
        %max3A_246 = arith.maximumf %scan3A_173, %select_n3A_245 : vector<16xf32>
        scf.yield %max3A_189, %max3A_208, %max3A_227, %max3A_246 : vector<16xf32>, vector<16xf32>, vector<16xf32>, vector<16xf32>
      }
      %scan3A_52 = arith.constant 16 : i32
      %max3A = arith.maximumf %scan3A_51#0, %scan3A_51#1 : vector<16xf32>
      %max3A_53 = arith.maximumf %scan3A_51#2, %scan3A_51#3 : vector<16xf32>
      %max3A_54 = arith.maximumf %max3A, %max3A_53 : vector<16xf32>
      %slice3A = vector.extract_strided_slice %max3A_54 {offsets = [0], sizes = [1], strides = [1]} : vector<16xf32> to vector<1xf32>
      %squeeze3A = vector.extract %slice3A[0] : f32 from vector<1xf32>
      %slice3A_55 = vector.extract_strided_slice %max3A_54 {offsets = [1], sizes = [1], strides = [1]} : vector<16xf32> to vector<1xf32>
      %squeeze3A_56 = vector.extract %slice3A_55[0] : f32 from vector<1xf32>
      %max3A_57 = arith.maximumf %squeeze3A, %squeeze3A_56 : f32
      %slice3A_58 = vector.extract_strided_slice %max3A_54 {offsets = [2], sizes = [1], strides = [1]} : vector<16xf32> to vector<1xf32>
      %squeeze3A_59 = vector.extract %slice3A_58[0] : f32 from vector<1xf32>
      %max3A_60 = arith.maximumf %max3A_57, %squeeze3A_59 : f32
      %slice3A_61 = vector.extract_strided_slice %max3A_54 {offsets = [3], sizes = [1], strides = [1]} : vector<16xf32> to vector<1xf32>
      %squeeze3A_62 = vector.extract %slice3A_61[0] : f32 from vector<1xf32>
      %max3A_63 = arith.maximumf %max3A_60, %squeeze3A_62 : f32
      %slice3A_64 = vector.extract_strided_slice %max3A_54 {offsets = [4], sizes = [1], strides = [1]} : vector<16xf32> to vector<1xf32>
      %squeeze3A_65 = vector.extract %slice3A_64[0] : f32 from vector<1xf32>
      %max3A_66 = arith.maximumf %max3A_63, %squeeze3A_65 : f32
      %slice3A_67 = vector.extract_strided_slice %max3A_54 {offsets = [5], sizes = [1], strides = [1]} : vector<16xf32> to vector<1xf32>
      %squeeze3A_68 = vector.extract %slice3A_67[0] : f32 from vector<1xf32>
      %max3A_69 = arith.maximumf %max3A_66, %squeeze3A_68 : f32
      %slice3A_70 = vector.extract_strided_slice %max3A_54 {offsets = [6], sizes = [1], strides = [1]} : vector<16xf32> to vector<1xf32>
      %squeeze3A_71 = vector.extract %slice3A_70[0] : f32 from vector<1xf32>
      %max3A_72 = arith.maximumf %max3A_69, %squeeze3A_71 : f32
      %slice3A_73 = vector.extract_strided_slice %max3A_54 {offsets = [7], sizes = [1], strides = [1]} : vector<16xf32> to vector<1xf32>
      %squeeze3A_74 = vector.extract %slice3A_73[0] : f32 from vector<1xf32>
      %max3A_75 = arith.maximumf %max3A_72, %squeeze3A_74 : f32
      %slice3A_76 = vector.extract_strided_slice %max3A_54 {offsets = [8], sizes = [1], strides = [1]} : vector<16xf32> to vector<1xf32>
      %squeeze3A_77 = vector.extract %slice3A_76[0] : f32 from vector<1xf32>
      %max3A_78 = arith.maximumf %max3A_75, %squeeze3A_77 : f32
      %slice3A_79 = vector.extract_strided_slice %max3A_54 {offsets = [9], sizes = [1], strides = [1]} : vector<16xf32> to vector<1xf32>
      %squeeze3A_80 = vector.extract %slice3A_79[0] : f32 from vector<1xf32>
      %max3A_81 = arith.maximumf %max3A_78, %squeeze3A_80 : f32
      %slice3A_82 = vector.extract_strided_slice %max3A_54 {offsets = [10], sizes = [1], strides = [1]} : vector<16xf32> to vector<1xf32>
      %squeeze3A_83 = vector.extract %slice3A_82[0] : f32 from vector<1xf32>
      %max3A_84 = arith.maximumf %max3A_81, %squeeze3A_83 : f32
      %slice3A_85 = vector.extract_strided_slice %max3A_54 {offsets = [11], sizes = [1], strides = [1]} : vector<16xf32> to vector<1xf32>
      %squeeze3A_86 = vector.extract %slice3A_85[0] : f32 from vector<1xf32>
      %max3A_87 = arith.maximumf %max3A_84, %squeeze3A_86 : f32
      %slice3A_88 = vector.extract_strided_slice %max3A_54 {offsets = [12], sizes = [1], strides = [1]} : vector<16xf32> to vector<1xf32>
      %squeeze3A_89 = vector.extract %slice3A_88[0] : f32 from vector<1xf32>
      %max3A_90 = arith.maximumf %max3A_87, %squeeze3A_89 : f32
      %slice3A_91 = vector.extract_strided_slice %max3A_54 {offsets = [13], sizes = [1], strides = [1]} : vector<16xf32> to vector<1xf32>
      %squeeze3A_92 = vector.extract %slice3A_91[0] : f32 from vector<1xf32>
      %max3A_93 = arith.maximumf %max3A_90, %squeeze3A_92 : f32
      %slice3A_94 = vector.extract_strided_slice %max3A_54 {offsets = [14], sizes = [1], strides = [1]} : vector<16xf32> to vector<1xf32>
      %squeeze3A_95 = vector.extract %slice3A_94[0] : f32 from vector<1xf32>
      %max3A_96 = arith.maximumf %max3A_93, %squeeze3A_95 : f32
      %slice3A_97 = vector.extract_strided_slice %max3A_54 {offsets = [15], sizes = [1], strides = [1]} : vector<16xf32> to vector<1xf32>
      %squeeze3A_98 = vector.extract %slice3A_97[0] : f32 from vector<1xf32>
      %max3A_99 = arith.maximumf %max3A_96, %squeeze3A_98 : f32
      %convert_element_type3A_100 = arith.fptosi %max3A_99 : f32 to i32
      %mul3A = arith.constant 2048 : i32
      %mul3A_101 = arith.muli %arg1, %mul3A : i32
      %add3A = arith.addi %mul3A_101, %convert_element_type3A_100 : i32
      "tpu.region"() ({
        %run_scoped3A = tpu.sem_alloc : memref<!tpu.dma_semaphore, #tpu.memory_space<semaphore_mem>>
        %dma_start3A_169 = arith.constant 0 : i32
        %dma_start3A_170 = tpu.memref_slice %arg3[%add3A, %dma_start3A_169] : memref<16384x768xf32, #tpu.memory_space<hbm>> -> memref<1x768xf32, #tpu.memory_space<hbm>>
        %dma_start3A_171 = tpu.memref_squeeze %dma_start3A_170 : memref<1x768xf32, #tpu.memory_space<hbm>> -> memref<768xf32, #tpu.memory_space<hbm>>
        %dma_start3A_172 = arith.constant 0 : i32
        %dma_start3A_173 = tpu.memref_slice %arg3[%add3A, %dma_start3A_172] : memref<16384x768xf32, #tpu.memory_space<hbm>> -> memref<1x768xf32, #tpu.memory_space<hbm>>
        %dma_start3A_174 = tpu.memref_squeeze %dma_start3A_173 : memref<1x768xf32, #tpu.memory_space<hbm>> -> memref<768xf32, #tpu.memory_space<hbm>>
        tpu.enqueue_dma source(%dma_start3A_174 : memref<768xf32, #tpu.memory_space<hbm>>) target(%arg7 : memref<768xf32, #tpu.memory_space<vmem>>) target_semaphore(%run_scoped3A : memref<!tpu.dma_semaphore, #tpu.memory_space<semaphore_mem>>)
        %dma_wait3A_175 = arith.constant 0 : i32
        %dma_wait3A_176 = tpu.memref_slice %arg3[%add3A, %dma_wait3A_175] : memref<16384x768xf32, #tpu.memory_space<hbm>> -> memref<1x768xf32, #tpu.memory_space<hbm>>
        %dma_wait3A_177 = tpu.memref_squeeze %dma_wait3A_176 : memref<1x768xf32, #tpu.memory_space<hbm>> -> memref<768xf32, #tpu.memory_space<hbm>>
        %dma_wait3A_178 = arith.constant 0 : i32
        %dma_wait3A_179 = tpu.memref_slice %arg3[%add3A, %dma_wait3A_178] : memref<16384x768xf32, #tpu.memory_space<hbm>> -> memref<1x768xf32, #tpu.memory_space<hbm>>
        %dma_wait3A_180 = tpu.memref_squeeze %dma_wait3A_179 : memref<1x768xf32, #tpu.memory_space<hbm>> -> memref<768xf32, #tpu.memory_space<hbm>>
        tpu.wait_dma2 semaphore(%run_scoped3A : memref<!tpu.dma_semaphore, #tpu.memory_space<semaphore_mem>>) src(%dma_wait3A_180 : memref<768xf32, #tpu.memory_space<hbm>>) dst(%arg7 : memref<768xf32, #tpu.memory_space<vmem>>)
        tpu.yield
      }) : () -> ()
      tpu.wait_dma2 semaphore(%arg12 : memref<!tpu.dma_semaphore, #tpu.memory_space<semaphore_mem>>) src(%arg4 : memref<784xf32, #tpu.memory_space<hbm>>) dst(%arg8 : memref<784xf32, #tpu.memory_space<vmem>>)
      %broadcast_in_dim3A_102 = arith.constant 0.000000e+00 : f32
      %broadcast_in_dim3A_103 = vector.broadcast %broadcast_in_dim3A_102 : f32 to vector<16xf32>
      %scan3A_104 = arith.constant 0 : i32
      %scan3A_105 = arith.constant 12 : i32
      %scan3A_106 = arith.addi %scan3A_104, %scan3A_105 : i32
      %scan3A_107 = arith.constant 1 : i32
      %scan3A_108:4 = scf.for %scan3A_169 = %scan3A_104 to %scan3A_106 step %scan3A_107 iter_args(%scan3A_170 = %broadcast_in_dim3A_103, %scan3A_171 = %broadcast_in_dim3A_103, %scan3A_172 = %broadcast_in_dim3A_103, %scan3A_173 = %broadcast_in_dim3A_103) -> (vector<16xf32>, vector<16xf32>, vector<16xf32>, vector<16xf32>)  : i32 {
        %mul3A_174 = arith.constant 64 : i32
        %mul3A_175 = arith.muli %scan3A_169, %mul3A_174 : i32
        %add3A_176 = arith.constant 0 : i32
        %add3A_177 = arith.addi %mul3A_175, %add3A_176 : i32
        %get3A_178 = arith.index_cast %add3A_177 : i32 to index
        %get3A_179 = tpu.vector_load %arg7[%get3A_178] {strides = array<i32>} : memref<768xf32, #tpu.memory_space<vmem>>, vector<16xf32>,
        %get3A_180 = vector.shape_cast %get3A_179 : vector<16xf32> to vector<16xf32>
        %get3A_181 = arith.index_cast %add3A_177 : i32 to index
        %get3A_182 = tpu.vector_load %arg8[%get3A_181] {strides = array<i32>} : memref<784xf32, #tpu.memory_space<vmem>>, vector<16xf32>,
        %get3A_183 = vector.shape_cast %get3A_182 : vector<16xf32> to vector<16xf32>
        %mul3A_184 = arith.mulf %get3A_180, %get3A_183 : vector<16xf32>
        %add3A_185 = arith.addf %scan3A_170, %mul3A_184 : vector<16xf32>
        %mul3A_186 = arith.constant 64 : i32
        %mul3A_187 = arith.muli %scan3A_169, %mul3A_186 : i32
        %add3A_188 = arith.constant 16 : i32
        %add3A_189 = arith.addi %mul3A_187, %add3A_188 : i32
        %get3A_190 = arith.index_cast %add3A_189 : i32 to index
        %get3A_191 = tpu.vector_load %arg7[%get3A_190] {strides = array<i32>} : memref<768xf32, #tpu.memory_space<vmem>>, vector<16xf32>,
        %get3A_192 = vector.shape_cast %get3A_191 : vector<16xf32> to vector<16xf32>
        %get3A_193 = arith.index_cast %add3A_189 : i32 to index
        %get3A_194 = tpu.vector_load %arg8[%get3A_193] {strides = array<i32>} : memref<784xf32, #tpu.memory_space<vmem>>, vector<16xf32>,
        %get3A_195 = vector.shape_cast %get3A_194 : vector<16xf32> to vector<16xf32>
        %mul3A_196 = arith.mulf %get3A_192, %get3A_195 : vector<16xf32>
        %add3A_197 = arith.addf %scan3A_171, %mul3A_196 : vector<16xf32>
        %mul3A_198 = arith.constant 64 : i32
        %mul3A_199 = arith.muli %scan3A_169, %mul3A_198 : i32
        %add3A_200 = arith.constant 32 : i32
        %add3A_201 = arith.addi %mul3A_199, %add3A_200 : i32
        %get3A_202 = arith.index_cast %add3A_201 : i32 to index
        %get3A_203 = tpu.vector_load %arg7[%get3A_202] {strides = array<i32>} : memref<768xf32, #tpu.memory_space<vmem>>, vector<16xf32>,
        %get3A_204 = vector.shape_cast %get3A_203 : vector<16xf32> to vector<16xf32>
        %get3A_205 = arith.index_cast %add3A_201 : i32 to index
        %get3A_206 = tpu.vector_load %arg8[%get3A_205] {strides = array<i32>} : memref<784xf32, #tpu.memory_space<vmem>>, vector<16xf32>,
        %get3A_207 = vector.shape_cast %get3A_206 : vector<16xf32> to vector<16xf32>
        %mul3A_208 = arith.mulf %get3A_204, %get3A_207 : vector<16xf32>
        %add3A_209 = arith.addf %scan3A_172, %mul3A_208 : vector<16xf32>
        %mul3A_210 = arith.constant 64 : i32
        %mul3A_211 = arith.muli %scan3A_169, %mul3A_210 : i32
        %add3A_212 = arith.constant 48 : i32
        %add3A_213 = arith.addi %mul3A_211, %add3A_212 : i32
        %get3A_214 = arith.index_cast %add3A_213 : i32 to index
        %get3A_215 = tpu.vector_load %arg7[%get3A_214] {strides = array<i32>} : memref<768xf32, #tpu.memory_space<vmem>>, vector<16xf32>,
        %get3A_216 = vector.shape_cast %get3A_215 : vector<16xf32> to vector<16xf32>
        %get3A_217 = arith.index_cast %add3A_213 : i32 to index
        %get3A_218 = tpu.vector_load %arg8[%get3A_217] {strides = array<i32>} : memref<784xf32, #tpu.memory_space<vmem>>, vector<16xf32>,
        %get3A_219 = vector.shape_cast %get3A_218 : vector<16xf32> to vector<16xf32>
        %mul3A_220 = arith.mulf %get3A_216, %get3A_219 : vector<16xf32>
        %add3A_221 = arith.addf %scan3A_173, %mul3A_220 : vector<16xf32>
        scf.yield %add3A_185, %add3A_197, %add3A_209, %add3A_221 : vector<16xf32>, vector<16xf32>, vector<16xf32>, vector<16xf32>
      }
      %scan3A_109 = arith.constant 12 : i32
      %add3A_110 = arith.addf %scan3A_108#0, %scan3A_108#1 : vector<16xf32>
      %add3A_111 = arith.addf %scan3A_108#2, %scan3A_108#3 : vector<16xf32>
      %add3A_112 = arith.addf %add3A_110, %add3A_111 : vector<16xf32>
      %slice3A_113 = vector.extract_strided_slice %add3A_112 {offsets = [0], sizes = [1], strides = [1]} : vector<16xf32> to vector<1xf32>
      %squeeze3A_114 = vector.extract %slice3A_113[0] : f32 from vector<1xf32>
      %slice3A_115 = vector.extract_strided_slice %add3A_112 {offsets = [1], sizes = [1], strides = [1]} : vector<16xf32> to vector<1xf32>
      %squeeze3A_116 = vector.extract %slice3A_115[0] : f32 from vector<1xf32>
      %slice3A_117 = vector.extract_strided_slice %add3A_112 {offsets = [2], sizes = [1], strides = [1]} : vector<16xf32> to vector<1xf32>
      %squeeze3A_118 = vector.extract %slice3A_117[0] : f32 from vector<1xf32>
      %slice3A_119 = vector.extract_strided_slice %add3A_112 {offsets = [3], sizes = [1], strides = [1]} : vector<16xf32> to vector<1xf32>
      %squeeze3A_120 = vector.extract %slice3A_119[0] : f32 from vector<1xf32>
      %slice3A_121 = vector.extract_strided_slice %add3A_112 {offsets = [4], sizes = [1], strides = [1]} : vector<16xf32> to vector<1xf32>
      %squeeze3A_122 = vector.extract %slice3A_121[0] : f32 from vector<1xf32>
      %slice3A_123 = vector.extract_strided_slice %add3A_112 {offsets = [5], sizes = [1], strides = [1]} : vector<16xf32> to vector<1xf32>
      %squeeze3A_124 = vector.extract %slice3A_123[0] : f32 from vector<1xf32>
      %slice3A_125 = vector.extract_strided_slice %add3A_112 {offsets = [6], sizes = [1], strides = [1]} : vector<16xf32> to vector<1xf32>
      %squeeze3A_126 = vector.extract %slice3A_125[0] : f32 from vector<1xf32>
      %slice3A_127 = vector.extract_strided_slice %add3A_112 {offsets = [7], sizes = [1], strides = [1]} : vector<16xf32> to vector<1xf32>
      %squeeze3A_128 = vector.extract %slice3A_127[0] : f32 from vector<1xf32>
      %slice3A_129 = vector.extract_strided_slice %add3A_112 {offsets = [8], sizes = [1], strides = [1]} : vector<16xf32> to vector<1xf32>
      %squeeze3A_130 = vector.extract %slice3A_129[0] : f32 from vector<1xf32>
      %slice3A_131 = vector.extract_strided_slice %add3A_112 {offsets = [9], sizes = [1], strides = [1]} : vector<16xf32> to vector<1xf32>
      %squeeze3A_132 = vector.extract %slice3A_131[0] : f32 from vector<1xf32>
      %slice3A_133 = vector.extract_strided_slice %add3A_112 {offsets = [10], sizes = [1], strides = [1]} : vector<16xf32> to vector<1xf32>
      %squeeze3A_134 = vector.extract %slice3A_133[0] : f32 from vector<1xf32>
      %slice3A_135 = vector.extract_strided_slice %add3A_112 {offsets = [11], sizes = [1], strides = [1]} : vector<16xf32> to vector<1xf32>
      %squeeze3A_136 = vector.extract %slice3A_135[0] : f32 from vector<1xf32>
      %slice3A_137 = vector.extract_strided_slice %add3A_112 {offsets = [12], sizes = [1], strides = [1]} : vector<16xf32> to vector<1xf32>
      %squeeze3A_138 = vector.extract %slice3A_137[0] : f32 from vector<1xf32>
      %slice3A_139 = vector.extract_strided_slice %add3A_112 {offsets = [13], sizes = [1], strides = [1]} : vector<16xf32> to vector<1xf32>
      %squeeze3A_140 = vector.extract %slice3A_139[0] : f32 from vector<1xf32>
      %slice3A_141 = vector.extract_strided_slice %add3A_112 {offsets = [14], sizes = [1], strides = [1]} : vector<16xf32> to vector<1xf32>
      %squeeze3A_142 = vector.extract %slice3A_141[0] : f32 from vector<1xf32>
      %slice3A_143 = vector.extract_strided_slice %add3A_112 {offsets = [15], sizes = [1], strides = [1]} : vector<16xf32> to vector<1xf32>
      %squeeze3A_144 = vector.extract %slice3A_143[0] : f32 from vector<1xf32>
      %add3A_145 = arith.addf %squeeze3A_114, %squeeze3A_116 : f32
      %add3A_146 = arith.addf %squeeze3A_118, %squeeze3A_120 : f32
      %add3A_147 = arith.addf %squeeze3A_122, %squeeze3A_124 : f32
      %add3A_148 = arith.addf %squeeze3A_126, %squeeze3A_128 : f32
      %add3A_149 = arith.addf %squeeze3A_130, %squeeze3A_132 : f32
      %add3A_150 = arith.addf %squeeze3A_134, %squeeze3A_136 : f32
      %add3A_151 = arith.addf %squeeze3A_138, %squeeze3A_140 : f32
      %add3A_152 = arith.addf %squeeze3A_142, %squeeze3A_144 : f32
      %add3A_153 = arith.addf %add3A_145, %add3A_146 : f32
      %add3A_154 = arith.addf %add3A_147, %add3A_148 : f32
      %add3A_155 = arith.addf %add3A_149, %add3A_150 : f32
      %add3A_156 = arith.addf %add3A_151, %add3A_152 : f32
      %add3A_157 = arith.addf %add3A_153, %add3A_154 : f32
      %add3A_158 = arith.addf %add3A_155, %add3A_156 : f32
      %add3A_159 = arith.addf %add3A_157, %add3A_158 : f32
      %get3A = arith.constant 768 : index
      %get3A_160 = tpu.vector_load %arg8[%get3A] {strides = array<i32>} : memref<784xf32, #tpu.memory_space<vmem>>, vector<16xf32>,
      %get3A_161 = vector.shape_cast %get3A_160 : vector<16xf32> to vector<16xf32>
      %slice3A_162 = vector.extract_strided_slice %get3A_161 {offsets = [0], sizes = [1], strides = [1]} : vector<16xf32> to vector<1xf32>
      %squeeze3A_163 = vector.extract %slice3A_162[0] : f32 from vector<1xf32>
      %add3A_164 = arith.addf %add3A_159, %squeeze3A_163 : f32
      %broadcast_in_dim3A_165 = vector.broadcast %add3A_164 : f32 to vector<16xf32>
      %swap3A = arith.constant 0 : index
      %swap3A_166 = tpu.vector_load %arg9[%swap3A] {strides = array<i32>} : memref<16xf32, #tpu.memory_space<vmem>>, vector<16xf32>,
      %swap3A_167 = vector.shape_cast %swap3A_166 : vector<16xf32> to vector<16xf32>
      %swap3A_168 = vector.shape_cast %broadcast_in_dim3A_165 : vector<16xf32> to vector<16xf32>
      tpu.vector_store %arg9[%swap3A], %swap3A_168 {strides = array<i32>} : memref<16xf32, #tpu.memory_space<vmem>>, vector<16xf32>,
      "tpu.region"() ({
        %run_scoped3A = tpu.sem_alloc : memref<!tpu.dma_semaphore, #tpu.memory_space<semaphore_mem>>
        %dma_start3A_169 = arith.constant 0 : i32
        %dma_start3A_170 = tpu.memref_slice %arg5[%arg1, %dma_start3A_169] : memref<8x16xf32, #tpu.memory_space<hbm>> -> memref<1x16xf32, #tpu.memory_space<hbm>>
        %dma_start3A_171 = tpu.memref_squeeze %dma_start3A_170 : memref<1x16xf32, #tpu.memory_space<hbm>> -> memref<16xf32, #tpu.memory_space<hbm>>
        %dma_start3A_172 = arith.constant 0 : i32
        %dma_start3A_173 = tpu.memref_slice %arg5[%arg1, %dma_start3A_172] : memref<8x16xf32, #tpu.memory_space<hbm>> -> memref<1x16xf32, #tpu.memory_space<hbm>>
        %dma_start3A_174 = tpu.memref_squeeze %dma_start3A_173 : memref<1x16xf32, #tpu.memory_space<hbm>> -> memref<16xf32, #tpu.memory_space<hbm>>
        tpu.enqueue_dma source(%arg9 : memref<16xf32, #tpu.memory_space<vmem>>) target(%dma_start3A_174 : memref<16xf32, #tpu.memory_space<hbm>>) target_semaphore(%run_scoped3A : memref<!tpu.dma_semaphore, #tpu.memory_space<semaphore_mem>>)
        %dma_wait3A_175 = arith.constant 0 : i32
        %dma_wait3A_176 = tpu.memref_slice %arg5[%arg1, %dma_wait3A_175] : memref<8x16xf32, #tpu.memory_space<hbm>> -> memref<1x16xf32, #tpu.memory_space<hbm>>
        %dma_wait3A_177 = tpu.memref_squeeze %dma_wait3A_176 : memref<1x16xf32, #tpu.memory_space<hbm>> -> memref<16xf32, #tpu.memory_space<hbm>>
        %dma_wait3A_178 = arith.constant 0 : i32
        %dma_wait3A_179 = tpu.memref_slice %arg5[%arg1, %dma_wait3A_178] : memref<8x16xf32, #tpu.memory_space<hbm>> -> memref<1x16xf32, #tpu.memory_space<hbm>>
        %dma_wait3A_180 = tpu.memref_squeeze %dma_wait3A_179 : memref<1x16xf32, #tpu.memory_space<hbm>> -> memref<16xf32, #tpu.memory_space<hbm>>
        tpu.wait_dma2 semaphore(%run_scoped3A : memref<!tpu.dma_semaphore, #tpu.memory_space<semaphore_mem>>) src(%arg9 : memref<16xf32, #tpu.memory_space<vmem>>) dst(%dma_wait3A_180 : memref<16xf32, #tpu.memory_space<hbm>>)
        tpu.yield
      }) : () -> ()
    } else {
    }
    return
  }
}

</mosaic_0001>

<sc_bundles>
// kernel: _mc_head.3.cloned.1.call-start
scs
__scs_entry_jumppad:
0x0: {  	(pc) =	sbr.rel $0x88, $3  }
0x1: {  	(tag) =	ssettag $0x0;
	lr =	simm.s32 $0x1  }
0x2: {  	[smem:$0x3F9E] =	sst lr;
	_ =	strace $0xD0000000  }
0x3: {  	_ = 	snop  }
0x4: {  	_ = 	snop  }
0x5: {  	_ = 	snop  }
0x6: {  	_ = 	snop  }
0x7: {  	_ = 	snop  }
__scs_overlays_trampoline_lowered:
0x8: {  	[smem:$0x3FAD] =	sst s0  }
0x9: {  	[smem:$0x3FAE] =	sst s1  }
0xa: {  	[smem:$0x3FAF] =	sst s2  }
0xb: {  	[smem:$0x3FB0] =	sst s3  }
0xc: {  	[smem:$0x3FB1] =	sst s4  }
0xd: {  	[smem:$0x3FB2] =	sst s5  }
0xe: {  	[smem:$0x3FB3] =	sst s6  }
0xf: {  	[smem:$0x3FB4] =	sst s7  }
0x10: {  	[smem:$0x3FB5] =	sst s8  }
0x11: {  	[smem:$0x3FB6] =	sst s9;
	s0 =	simm.s32 @!p0 $0x0  }
0x12: {  	s1 =	sld [smem:$0x3F9C];
	s0 =	simm.s32 @p0 $0x1  }
0x13: {  	[smem:$0x3FB7] =	sst s0;
	s0 =	simm.s32 @!p1 $0x0  }
0x14: {  	s2 =	sld [smem:$0x3F9B];
	s0 =	simm.s32 @p1 $0x1  }
0x15: {  	[smem:$0x3FB8] =	sst s0;
	s0 =	simm.s32 @!p2 $0x0  }
0x16: {  	s3 =	sld [smem:$0x3FDB];
	s0 =	simm.s32 @p2 $0x1  }
0x17: {  	s4 =	simm.s32 $0x1BF5;
	[smem:$0x3FBA] =	sst s0  }
0x18: {  	s0 =	sld [smem:$0x3F9D];
	_ =	swait.ge [sflag:s4], $0x0  }
0x19: {  	s7 =	sld [smem:$0x3F9E]  }
0x1a: {  	s8 =	sadd.s32 $0xFFFFE003, lr  }
0x1b: {  	s9 =	sadd.s32 $0xFFFFFEF7, lr;
	s5 =	simm.s32 $0xFFFFFFFF;
	p2 =	slt.u32 s8, $0xFFFFF086  }
0x1c: {  	p1 =	slt.u32 s9, $0xF7A;
	s5 =	simm.s32 @!p2 $0x0  }
0x1d: {  	s5 =	simm.s32 @p1 $0x1;
	p0 =	seq.s32 s7, s2  }
0x1e: {  	s7 =	smul.u32 @!p0 $0xF7A, s2;
	p2 =	seq.s32 @!p0 s5, $0x0  }
0x1f: {  	s9 =	smul.u32 $0xF7A, s1;
	s8 =	simm.s32 @!p0 $0x1BF5;
	p2 =	por !p2, p0  }
0x20: {  	[sflag:s8] =	ssyncset.s32 @!p0 $0xFFFFF086;
	s6 =	sadd.s32 @!p0 s3, s7;
	s7 =	simm.s32 @!p0 $0x108  }
0x21: {  	s3 =	sadd.s32 s3, s9;
	s6 =	sadd.s32 @!p0 $0x88, s6;
	s7 =	simm.s32 @p2 $0x1082  }
0x22: {  	[simem:s7], [sflag:s8] =	dma.local @!p0 [hbm:s6], $0xF7A  }
0x23: {  	s9 =	sor.u32 $0xD0000000, s2;
	s6 =	simm.s32 $0x108;
	_ =	swait.ge @!p0 [sflag:s8], $0x0  }
0x24: {  	s3 =	sadd.s32 $0x88, s3;
	s6 =	simm.s32 @!p1 $0x1082;
	[sflag:s4] =	ssyncset.s32 $0xFFFFF086  }
0x25: {  	[simem:s6], [sflag:s4] =	dma.local [hbm:s3], $0xF7A  }
0x26: {  	[smem:$0x3F9E] =	sst s1;
	(tag) =	ssettag s2;
	_ =	strace s9  }
0x27: {  	s1 =	sld [smem:$0x3FAE]  }
0x28: {  	s2 =	sld [smem:$0x3FAF]  }
0x29: {  	s4 =	sld [smem:$0x3FB1]  }
0x2a: {  	p0 =	seq.s32 s5, $0x0;
	s5 =	sld [smem:$0x3FB2]  }
0x2b: {  	s6 =	sld [smem:$0x3FB3]  }
0x2c: {  	s7 =	sld [smem:$0x3FB4]  }
0x2d: {  	s3 =	simm.s32 $0x108;
	s8 =	sld [smem:$0x3FB5]  }
0x2e: {  	s3 =	simm.s32 @!p0 $0x1082;
	s9 =	sld [smem:$0x3FB6]  }
0x2f: {  	lr =	sadd.s32 s0, s3;
	s0 =	sld [smem:$0x3FAD]  }
0x30: {  	s3 =	sld [smem:$0x3FB0]  }
0x31: {  	[smem:$0x3FB9] =	sst s10  }
0x32: {  	s10 =	sld [smem:$0x3FB7];
	_ =	sdelay $0x3  }
0x33: {  	p0 =	seq.s32 s10, $0x1;
	s10 =	sld [smem:$0x3FB9];
	_ =	sdelay $0x3  }
0x34: {  	[smem:$0x3FB9] =	sst s10  }
0x35: {  	s10 =	sld [smem:$0x3FB8];
	_ =	sdelay $0x3  }
0x36: {  	p1 =	seq.s32 s10, $0x1;
	s10 =	sld [smem:$0x3FB9];
	_ =	sdelay $0x3  }
0x37: {  	[smem:$0x3FB9] =	sst s10  }
0x38: {  	s10 =	sld [smem:$0x3FBA]  }
0x39: {  	_ = 	snop;
	(pc) =	sbr.ind lr, $3  }
0x3a: {  	_ = 	snop  }
0x3b: {  	_ = 	snop  }
0x3c: {  	p2 =	seq.s32 s10, $0x1;
	s10 =	sld [smem:$0x3FB9]  }
0x3d: {  	_ =	shalt  }
0x3e: {  	_ =	shalt  }
0x3f: {  	_ =	shalt  }
0x40: {  	_ =	shalt  }
0x41: {  	_ =	shalt  }
0x42: {  	_ =	shalt  }
0x43: {  	_ =	shalt  }
0x44: {  	_ =	shalt  }
0x45: {  	_ =	shalt  }
0x46: {  	_ =	shalt  }
0x47: {  	_ =	shalt  }
0x48: {  	_ =	shalt  }
0x49: {  	_ =	shalt  }
0x4a: {  	_ =	shalt  }
0x4b: {  	_ =	shalt  }
0x4c: {  	_ =	shalt  }
0x4d: {  	_ =	shalt  }
0x4e: {  	_ =	shalt  }
0x4f: {  	_ =	shalt  }
0x50: {  	_ =	shalt  }
0x51: {  	_ =	shalt  }
0x52: {  	_ =	shalt  }
0x53: {  	_ =	shalt  }
0x54: {  	_ =	shalt  }
0x55: {  	_ =	shalt  }
0x56: {  	_ =	shalt  }
0x57: {  	_ =	shalt  }
0x58: {  	_ =	shalt  }
0x59: {  	_ =	shalt  }
0x5a: {  	_ =	shalt  }
0x5b: {  	_ =	shalt  }
0x5c: {  	_ =	shalt  }
0x5d: {  	_ =	shalt  }
0x5e: {  	_ =	shalt  }
0x5f: {  	_ =	shalt  }
0x60: {  	_ =	shalt  }
0x61: {  	_ =	shalt  }
0x62: {  	_ =	shalt  }
0x63: {  	_ =	shalt  }
0x64: {  	_ =	shalt  }
0x65: {  	_ =	shalt  }
0x66: {  	_ =	shalt  }
0x67: {  	_ =	shalt  }
0x68: {  	_ =	shalt  }
0x69: {  	_ =	shalt  }
0x6a: {  	_ =	shalt  }
0x6b: {  	_ =	shalt  }
0x6c: {  	_ =	shalt  }
0x6d: {  	_ =	shalt  }
0x6e: {  	_ =	shalt  }
0x6f: {  	_ =	shalt  }
0x70: {  	_ =	shalt  }
0x71: {  	_ =	shalt  }
0x72: {  	_ =	shalt  }
0x73: {  	_ =	shalt  }
0x74: {  	_ =	shalt  }
0x75: {  	_ =	shalt  }
0x76: {  	_ =	shalt  }
0x77: {  	_ =	shalt  }
0x78: {  	_ =	shalt  }
0x79: {  	_ =	shalt  }
0x7a: {  	_ =	shalt  }
0x7b: {  	_ =	shalt  }
0x7c: {  	_ =	shalt  }
0x7d: {  	_ =	shalt  }
0x7e: {  	_ =	shalt  }
0x7f: {  	_ =	shalt  }
0x80: {  	_ =	shalt  }
0x81: {  	_ =	shalt  }
0x82: {  	_ =	shalt  }
0x83: {  	_ =	shalt  }
0x84: {  	_ =	shalt  }
0x85: {  	_ =	shalt  }
0x86: {  	_ =	shalt  }
0x87: {  	_ =	shalt  }
.Lfunc_end0:
.L_simem_size_0:
called_computation_lowered:
.L_overlay_start_0:
0x88: {  	s0 =	sld [smem:$0x3FD9]  }
0x89: {  	s1 =	sld [smem:$0x3FFE];
	_ =	sdelay $0x3  }
0x8a: {  	s0 =	sadd.s32 s1, s0  }
0x8b: {  	[smem:$0x3FC5] =	sst s0  }
0x8c: {  	_ = 	snop  }
0x8d: {  	s0 =	sld [smem:$0x3FC9]  }
0x8e: {  	s17 =	sld [smem:$0x3FC8]  }
0x8f: {  	s2 =	sld [smem:$0x3FC7]  }
0x90: {  	s3 =	sld [smem:$0x3FD0];
	(tm) =	ssettm $0x1  }
0x91: {  	s4 =	sld [smem:$0x3FFB];
	_ =	sdelay $0x3  }
0x92: {  	_ =	strace s4  }
0x93: {  	s4 =	sld [smem:$0x3FFC];
	_ =	sdelay $0x3  }
0x94: {  	_ =	strace s4  }
0x95: {  	s4 =	sld [smem:$0x3FFD];
	_ =	sdelay $0x3  }
0x96: {  	_ =	strace s4  }
0x97: {  	_ =	strace $0x8FFFFFFF  }
0x98: {  	s18 =	sld [smem:$0x3FDB];
	_ =	sdelay $0x1  }
0x99: {  	s5 =	simm.s32 $_scs_section_size  }
0x9a: {  	s6 =	simm.s32 $_size__tile_overlayer_lowered;
	s7 =	simm.s32 $_tile_overlayer_lowered  }
0x9b: {  	s21 =	simm.s32 $0x1BFF;
	s20 =	sshll.u32 s7, $0x1;
	s4 =	sadd.s32 s5, s18  }
0x9c: {  	s8 =	simm.s32 $0x0;
	s19 =	sshll.u32 s6, $0x1;
	s6 =	sadd.s32 s20, s4  }
0x9d: {  	[timem:s8], [sflag:s21] =	dma.local [hbm:s6], s19  }
0x9e: {  	_ =	swait.ge [sflag:s21], s19  }
0x9f: {  	s5 =	ssub.s32 $0x0, s19;
	[sflag:s21] =	ssyncset.done $0x0  }
0xa0: {  	[sflag:s21] =	ssyncadd.s32 s5;
	_ =	sdelay $0x1  }
0xa1: {  	s22 =	simm.s32 $0x1B8B  }
0xa2: {  	_ =	swait.ge [sflag:s22], $0x1  }
0xa3: {  	[sflag:s22] =	ssyncset.done $0x0  }
0xa4: {  	s23 =	simm.s32 $0x1B8E;
	[sflag:s22] =	ssyncadd.s32 $0xFFFFFFFF  }
0xa5: {  	s24 =	simm.s32 $execute0_lowered;
	[smem:$0x3FD2] =	sst s23  }
0xa6: {  	s5 =	sshll.u32 s24, $0x1;
	_ =	strace $0x80000046;
	[dreg:$0x1] =	wrdreg $0xFFFFFFFF  }
0xa7: {  	s25 =	simm.s32 $_size_execute0_lowered;
	s4 =	sadd.s32 s4, s5;
	[dreg:$0x0] =	wrdreg $0x0  }
0xa8: {  	s5 =	sshll.u32 s25, $0x1;
	[dreg:$0x2] =	wrdreg s4  }
0xa9: {  	[dreg:$0x3] =	wrdreg s5  }
0xaa: {  	[dreg:$0x4] =	wrdreg $0xC0  }
0xab: {  	_ =	task [dreg:s8], $0x5FFFF  }
0xac: {  	[dreg:$0x1] =	wrdreg $0xFFFFFFFF  }
0xad: {  	[dreg:$0x0] =	wrdreg $0x60  }
0xae: {  	[dreg:$0x2] =	wrdreg s0  }
0xaf: {  	[dreg:$0x3] =	wrdreg s17  }
0xb0: {  	[dreg:$0x4] =	wrdreg s2  }
0xb1: {  	[dreg:$0x5] =	wrdreg s3  }
0xb2: {  	[dreg:$0x6] =	wrdreg $0x9  }
0xb3: {  	_ =	task.clear_ibuf [dreg:s8], $0x7FFFF;
	_ =	strace $0x90000046  }
0xb4: {  	s26 =	simm.s32 $0x9;
	_ =	strace $0x80000048  }
0xb5: {  	_ =	swait.ge [sflag:s26], $0x1  }
0xb6: {  	[sflag:s26] =	ssyncadd.s32 $0xFFFFFFFF  }
0xb7: {  	_ =	strace $0x90000048  }
0xb8: {  	_ =	sfence  }
0xb9: {  	s28 =	sld [smem:$0x0];
	_ =	sdelay $0x1  }
0xba: {  	s29 =	srdreg.scid  }
0xbb: {  	s30 =	sshll.u32 s29, $0xD;
	s31 =	sshrl.u32 s29, $0x2  }
0xbc: {  	s1 =	sand.u32 $0x1, s29;
	s2 =	sand.u32 $0x4000, s30;
	s0 =	sadd.s32 s31, s28  }
0xbd: {  	s1 =	sor.u32 s2, s1;
	s0 =	sshll.u32 s0, $0x11  }
0xbe: {  	s0 =	sor.u32 s0, s1  }
0xbf: {  	s0 =	sadd.s32 $0x8F2B, s0  }
0xc0: {  	[sflag:s0] =	ssyncadd.remote.s32 $0x1  }
0xc1: {  	_ =	sfence.sel $0xFFFF  }
0xc2: {  	[dreg:$0x0] =	wrdreg $0xFFFFFFFF;
	(pc) =	sbr.abs _section_cstart, $3  }
0xc3: {  	[dreg:$0x1] =	wrdreg $0xFFFFFFFF  }
0xc4: {  	_ =	task.clear_ibuf [dreg:s8], $0x2FFFF;
	_ =	strace $0x9FFFFFFF  }
0xc5: {  	(tm) =	ssettm $0x7FFFFFFF  }
tec
execute0_lowered:
.L_overlay_start_1:
0x0: {  	(tag) =	ssettag $0x1  }
0x1: {  	s1 =	stileid.u32  }
0x2: {  	s6 =	rddreg [dreg:$0x0];
	p0 =	sgt.u32 s1, $0x7  }
.Ltmp0:
0x3: {  	s3 =	rddreg [dreg:$0x1];
	(pc) =	sbr.rel @p0 .LBB2_8-.Ltmp0, $4  }
0x4: {  	s5 =	rddreg [dreg:$0x2]  }
0x5: {  	s2 =	rddreg [dreg:$0x3];
	s4 =	simm.s32 $0x0  }
0x6: {  	[smem:$0x7FF] =	sst s4  }
0x7: {  	s0 =	rddreg [dreg:$0x4];
	_ =	strace $0x80000047  }
0x8: {  	v0 =	vimm.f32 $1.500000000e+01;
	vm0 =	vcmask $0x300  }
0x9: {  	s7 =	sshll.u32 s1, $0x4;
	vm1 =	vcmask $0x704;
	v0 =	vsel vm0, $0x0, v0  }
0xa: {  	s8 =	simm.s32 $0x80;
	s9 =	simm.s32 $0x400;
	vm3 =	vcmask $0xB08;
	s6 =	sadd.s32 s6, s7;
	v0 =	vsel vm1, $0x3F800000, v0  }
0xb: {  	vm5 =	vcmask $0xF0C;
	[tilespmem:s4], [sflag:$0x1] =	stream.strided.gather [hbm4b:s6+s8], $0x400, s9, s8, $0x38;
	v0 =	vsel vm3, $0x40000000, v0;
	[tilespmem:$0xF00] =	vst v63  }
0xc: {  	vm7 =	vcmask $0x1310;
	s6 =	sadd.s32 $0x400, s6;
	v0 =	vsel vm5, $0x40400000, v0  }
0xd: {  	vm8 =	vcmask $0x1714;
	[tilespmem:s9], [sflag:$0x2] =	stream.strided.gather [hbm4b:s6+s8], $0x400, s9, s8, $0x38;
	v0 =	vsel vm7, $0x40800000, v0;
	[tilespmem:$0xF00] =	vst v63  }
0xe: {  	s24 =	simm.s32 $0xB00;
	vm11 =	vcmask $0x1B18;
	s25 =	simm.s32 $0x1;
	v0 =	vsel vm8, $0x40A00000, v0  }
0xf: {  	vm14 =	vcmask $0x1F1C;
	[tilespmem:s24], [sflag:$0x3] =	stream.linear.gather [hbm4b:s5+s4], $0x380, $0x38;
	v0 =	vsel vm11, $0x40C00000, v0;
	[tilespmem:$0xF00] =	vst v63  }
0x10: {  	vm12 =	vcmask $0x2320;
	_ =	swait.ge [sflag:s25], $0x400;
	v0 =	vsel vm14, $0x40E00000, v0  }
0x11: {  	vm9 =	vcmask $0x2724;
	[sflag:s25] =	ssyncset.done $0x0;
	v0 =	vsel vm12, $0x41000000, v0  }
0x12: {  	vm10 =	vcmask $0x2B28;
	s26 =	simm.s32 $0x20;
	[sflag:s25] =	ssyncadd.s32 $0xFFFFFC00;
	v0 =	vsel vm9, $0x41100000, v0  }
0x13: {  	vm13 =	vcmask $0x2F2C;
	v1 =	vld [tilespmem:s26+$0x10];
	v0 =	vsel vm10, $0x41200000, v0  }
0x14: {  	vm6 =	vcmask $0x3330;
	v0 =	vsel vm13, $0x41300000, v0  }
0x15: {  	vm4 =	vcmask $0x3734;
	s28 =	simm.s32 $0x30;
	v8 =	vld [tilespmem:s26+$0xFFFFFFF0];
	v0 =	vsel vm6, $0x41400000, v0  }
0x16: {  	vm2 =	vcmask $0x3B38;
	s29 =	simm.s32 $0x10;
	s6 =	scvt.s32.f32 s28;
	v6 =	vld [tilespmem:s26+$0x0];
	v0 =	vsel vm4, $0x41500000, v0  }
0x17: {  	s30 =	scvt.s32.f32 s4;
	s31 =	simm.s32 $0x20;
	v2 =	vimm.f32 $-1.000000000e+00;
	v3 =	vimm.f32 $-1.000000000e+00;
	s8 =	scvt.s32.f32 s29;
	v7 =	vld [tilespmem:s26+$0xFFFFFFE0];
	v4 =	vsel vm2, $0x41600000, v0  }
0x18: {  	s2 =	sadd.s32 s2, s7;
	s5 =	scvt.s32.f32 s31;
	v0 =	vimm.f32 $-1.000000000e+00;
	vm15 =	veq.s32 v1, $0x9E20;
	v9 =	vadd.f32 s6, v4  }
0x19: {  	s7 =	simm.s32 $0x60;
	s4 =	sshll.u32 s1, $0xB;
	v1 =	vimm.f32 $-1.000000000e+00;
	v5 =	vadd.f32 s30, v4;
	v10 =	vadd.f32 s8, v4;
	s6 =	simm.s32 $0x40  }
.LBB2_2:
0x1a: {  	v11 =	vld [tilespmem:s7+$0x10];
	p0 =	sne.s32 s6, $0x3C0;
	vm0 =	veq.s32 v8, $0x9E20;
	v12 =	vadd.f32 s5, v4;
	v9 =	vnsel vm15, $0xBF800000, v9;
	s5 =	smov.u32 s6;
	s6 =	sadd.s32 $0x40, s6  }
.Ltmp1:
0x1b: {  	v8 =	vld [tilespmem:s7+$0xFFFFFFF0];
	s8 =	sadd.s32 $0x30, s5;
	v10 =	vnsel vm0, $0xBF800000, v10;
	vm0 =	veq.s32 v6, $0x9E20;
	v0 =	vmax.f32 v0, v9;
	(pc) =	sbr.rel @p0 .LBB2_2-.Ltmp1, $4  }
0x1c: {  	s9 =	sadd.s32 $0x10, s5;
	v6 =	vld [tilespmem:s7+$0x0];
	s8 =	scvt.s32.f32 s8;
	vm15 =	veq.s32 v7, $0x9E20;
	v2 =	vmax.f32 v2, v10;
	v9 =	vnsel vm0, $0xBF800000, v12  }
0x1d: {  	s10 =	scvt.s32.f32 s5;
	s5 =	sadd.s32 $0x20, s5;
	s9 =	scvt.s32.f32 s9;
	v7 =	vld [tilespmem:s7+$0xFFFFFFE0];
	v5 =	vnsel vm15, $0xBF800000, v5;
	v1 =	vmax.f32 v1, v9  }
0x1e: {  	s5 =	scvt.s32.f32 s5;
	v9 =	vadd.f32 s8, v4;
	v3 =	vmax.f32 v3, v5  }
0x1f: {  	s7 =	sadd.s32 $0x40, s7;
	v5 =	vadd.f32 s10, v4;
	v10 =	vadd.f32 s9, v4;
	vm15 =	veq.s32 v11, $0x9E20  }
0x20: {  	v11 =	vimm.f32 $1.500000000e+01;
	vm0 =	vcmask $0x300  }
0x21: {  	v11 =	vsel vm0, $0x0, v11  }
0x22: {  	v11 =	vsel vm1, $0x3F800000, v11  }
0x23: {  	v11 =	vsel vm3, $0x40000000, v11  }
0x24: {  	v11 =	vsel vm5, $0x40400000, v11  }
0x25: {  	v11 =	vsel vm7, $0x40800000, v11  }
0x26: {  	s6 =	simm.s32 $0x2;
	v11 =	vsel vm8, $0x40A00000, v11  }
0x27: {  	s22 =	simm.s32 $0x0;
	_ =	swait.ge [sflag:s6], $0x400;
	v11 =	vsel vm11, $0x40C00000, v11  }
0x28: {  	s7 =	simm.s32 $0x400;
	s8 =	simm.s32 $0x430;
	[sflag:s6] =	ssyncset.done $0x0;
	v11 =	vsel vm14, $0x40E00000, v11  }
0x29: {  	s9 =	sand.u32 $0x780, s7;
	[sflag:s6] =	ssyncadd.s32 $0xFFFFFC00;
	s6 =	sand.u32 $0x40, s22;
	v11 =	vsel vm12, $0x41000000, v11  }
0x2a: {  	s6 =	sor.u32 s6, s9;
	v12 =	vld [tilespmem:s8+$0x0];
	v11 =	vsel vm9, $0x41100000, v11  }
0x2b: {  	v13 =	vld [tilespmem:s6+$0x0];
	v11 =	vsel vm10, $0x41200000, v11  }
0x2c: {  	v14 =	vnsel vm15, $0xBF800000, v9;
	vm9 =	veq.s32 v8, $0x9E20;
	v8 =	vld [tilespmem:s8+$0xFFFFFFE0];
	v9 =	vsel vm13, $0x41300000, v11  }
0x2d: {  	v4 =	vadd.f32 s5, v4;
	s23 =	simm.s32 $0x410;
	v11 =	vnsel vm9, $0xBF800000, v10;
	v10 =	vld [tilespmem:s8+$0xFFFFFFF0];
	v9 =	vsel vm6, $0x41400000, v9  }
0x2e: {  	s25 =	simm.s32 $0x430;
	s5 =	scvt.s32.f32 s23;
	v0 =	vmax.f32 v0, v14;
	vm10 =	veq.s32 v6, $0x9E20;
	v6 =	vsel vm4, $0x41500000, v9  }
0x2f: {  	s24 =	simm.s32 $0x420;
	s7 =	scvt.s32.f32 s7;
	vm11 =	veq.s32 v7, $0x9E20;
	v15 =	vnsel vm10, $0xBF800000, v4;
	s8 =	scvt.s32.f32 s25;
	v4 =	vsel vm2, $0x41600000, v6  }
0x30: {  	s26 =	simm.s32 $0x40;
	s10 =	simm.s32 $0x440;
	s6 =	scvt.s32.f32 s24;
	v16 =	vnsel vm11, $0xBF800000, v5;
	vm12 =	veq.s32 v13, $0x9E20;
	v6 =	vadd.f32 s5, v4  }
0x31: {  	s28 =	sand.u32 $0x780, s10;
	s9 =	sand.u32 $0x40, s26;
	vm13 =	veq.s32 v12, $0x9E20;
	v7 =	vadd.f32 s7, v4;
	v9 =	vadd.f32 s8, v4;
	s5 =	simm.s32 $0x470  }
0x32: {  	s29 =	sor.u32 s9, s28;
	vm14 =	veq.s32 v8, $0x9E20;
	v62 =	vadd.f32 s6, v4;
	v5 =	vld [tilespmem:s5+$0x0];
	vm15 =	veq.s32 v10, $0x9E20  }
0x33: {  	s30 =	simm.s32 $0x450;
	s11 =	simm.s32 $0x470;
	v8 =	vnsel vm12, $0xBF800000, v7;
	v63 =	vnsel vm13, $0xBF800000, v9;
	v10 =	vnsel vm14, $0xBF800000, v6;
	v6 =	vld [tilespmem:s29+$0x0]  }
0x34: {  	s31 =	simm.s32 $0x460;
	s9 =	scvt.s32.f32 s10;
	s10 =	scvt.s32.f32 s11;
	v9 =	vnsel vm15, $0xBF800000, v62;
	v7 =	vmax.f32 v2, v11;
	v11 =	vmax.f32 v3, v16;
	v2 =	vld [tilespmem:s5+$0xFFFFFFE0]  }
0x35: {  	s8 =	scvt.s32.f32 s30;
	s7 =	scvt.s32.f32 s31;
	s6 =	simm.s32 $0x80;
	v3 =	vmax.f32 v1, v15;
	v1 =	vmax.f32 v11, v8;
	v0 =	vmax.f32 v0, v63;
	v8 =	vld [tilespmem:s5+$0xFFFFFFF0]  }
.LBB2_4:
0x36: {  	s11 =	sadd.s32 $0x400, s6;
	p0 =	sne.s32 s6, $0x3C0  }
0x37: {  	v11 =	vadd.f32 s8, v4;
	v7 =	vmax.f32 v7, v10;
	v3 =	vmax.f32 v3, v9;
	s12 =	smov.u32 s6;
	s6 =	sadd.s32 $0x40, s6;
	s5 =	sadd.s32 $0x40, s5  }
.Ltmp2:
0x38: {  	s8 =	sand.u32 $0x780, s11;
	s13 =	sand.u32 $0x40, s12;
	v9 =	vadd.f32 s9, v4;
	v10 =	vadd.f32 s10, v4;
	(pc) =	sbr.rel @p0 .LBB2_4-.Ltmp2, $4  }
0x39: {  	v12 =	vadd.f32 s7, v4;
	vm1 =	veq.s32 v5, $0x9E20;
	s8 =	sor.u32 s13, s8;
	vm0 =	veq.s32 v6, $0x9E20;
	v5 =	vld [tilespmem:s5+$0x0]  }
0x3a: {  	s7 =	sadd.s32 $0x410, s12;
	s9 =	sadd.s32 $0x420, s12;
	v6 =	vld [tilespmem:s8+$0x0];
	v9 =	vnsel vm0, $0xBF800000, v9;
	vm0 =	veq.s32 v2, $0x9E20;
	v10 =	vnsel vm1, $0xBF800000, v10  }
0x3b: {  	s10 =	sadd.s32 $0x430, s12;
	s8 =	scvt.s32.f32 s7;
	s7 =	scvt.s32.f32 s9;
	v2 =	vld [tilespmem:s5+$0xFFFFFFE0];
	v1 =	vmax.f32 v1, v9;
	vm1 =	veq.s32 v8, $0x9E20;
	v0 =	vmax.f32 v0, v10  }
0x3c: {  	s10 =	scvt.s32.f32 s10;
	s9 =	scvt.s32.f32 s11;
	v10 =	vnsel vm0, $0xBF800000, v11;
	v8 =	vld [tilespmem:s5+$0xFFFFFFF0];
	v9 =	vnsel vm1, $0xBF800000, v12  }
0x3d: {  	_ = 	snop  }
0x3e: {  	v11 =	vadd.f32 s8, v4;
	v7 =	vmax.f32 v7, v10;
	v10 =	vadd.f32 s9, v4  }
0x3f: {  	v3 =	vmax.f32 v3, v9;
	v9 =	vadd.f32 s10, v4;
	vm0 =	veq.s32 v6, $0x9E20  }
0x40: {  	v4 =	vadd.f32 s7, v4;
	vm1 =	veq.s32 v5, $0x9E20;
	v5 =	vnsel vm0, $0xBF800000, v10  }
0x41: {  	vm14 =	veq.s32 v2, $0x9E20;
	v2 =	vnsel vm1, $0xBF800000, v9;
	vm15 =	veq.s32 v8, $0x9E20  }
0x42: {  	v1 =	vmax.f32 v1, v5;
	v5 =	vnsel vm14, $0xBF800000, v11;
	v4 =	vnsel vm15, $0xBF800000, v4  }
0x43: {  	v0 =	vmax.f32 v0, v2;
	v2 =	vmax.f32 v7, v5;
	v3 =	vmax.f32 v3, v4  }
0x44: {  	v1 =	vmax.f32 v1, v2;
	v0 =	vmax.f32 v3, v0  }
0x45: {  	v0 =	vmax.f32 v1, v0  }
0x46: {  	(v2sf) =	vpush v0, $0x0  }
0x47: {  	(v2sf) =	vpush v0, $0x1  }
0x48: {  	(v2sf) =	vpush v0, $0x2  }
0x49: {  	(v2sf) =	vpush v0, $0x3  }
0x4a: {  	(v2sf) =	vpush v0, $0x4  }
0x4b: {  	(v2sf) =	vpush v0, $0x5  }
0x4c: {  	(v2sf) =	vpush v0, $0x6  }
0x4d: {  	(v2sf) =	vpush v0, $0x7  }
0x4e: {  	(v2sf) =	vpush v0, $0x8  }
0x4f: {  	(v2sf) =	vpush v0, $0x9  }
0x50: {  	(v2sf) =	vpush v0, $0xA  }
0x51: {  	(v2sf) =	vpush v0, $0xB  }
0x52: {  	(v2sf) =	vpush v0, $0xC  }
0x53: {  	(v2sf) =	vpush v0, $0xD  }
0x54: {  	(v2sf) =	vpush v0, $0xE  }
0x55: {  	s5 =	spop (v2sf);
	(v2sf) =	vpush v0, $0xF  }
0x56: {  	s6 =	spop (v2sf)  }
0x57: {  	s11 =	spop (v2sf);
	s5 =	smax.f32 s5, s6  }
0x58: {  	s12 =	spop (v2sf);
	s5 =	smax.f32 s5, s11  }
0x59: {  	s13 =	spop (v2sf);
	s5 =	smax.f32 s5, s12  }
0x5a: {  	s14 =	spop (v2sf);
	s5 =	smax.f32 s5, s13  }
0x5b: {  	s15 =	spop (v2sf);
	s5 =	smax.f32 s5, s14  }
0x5c: {  	s16 =	spop (v2sf);
	s5 =	smax.f32 s5, s15  }
0x5d: {  	s17 =	spop (v2sf);
	s5 =	smax.f32 s5, s16  }
0x5e: {  	s18 =	spop (v2sf);
	s5 =	smax.f32 s5, s17  }
0x5f: {  	s19 =	spop (v2sf);
	s5 =	smax.f32 s5, s18  }
0x60: {  	s20 =	spop (v2sf);
	s5 =	smax.f32 s5, s19  }
0x61: {  	s21 =	spop (v2sf);
	s5 =	smax.f32 s5, s20  }
0x62: {  	s22 =	spop (v2sf);
	s5 =	smax.f32 s5, s21  }
0x63: {  	s23 =	spop (v2sf);
	s5 =	smax.f32 s5, s22  }
0x64: {  	s5 =	smax.f32 s5, s23;
	s24 =	spop (v2sf)  }
0x65: {  	s5 =	smax.f32 s5, s24  }
0x66: {  	s5 =	scvt.f32.s32 s5;
	_ =	sdelay $0x1  }
0x67: {  	s4 =	sadd.s32 s5, s4  }
0x68: {  	s4 =	sshrl.u32 s4, $0x3  }
0x69: {  	s5 =	sshll.u32 s5, $0x7;
	s4 =	smul.u32 $0x1800, s4  }
0x6a: {  	s5 =	sand.u32 $0x380, s5  }
0x6b: {  	s4 =	sor.u32 s5, s4  }
0x6c: {  	s25 =	simm.s32 $0x80;
	s26 =	simm.s32 $0x400;
	s4 =	sshrl.u32 s4, $0x3  }
0x6d: {  	s28 =	simm.s32 $0x800;
	s29 =	simm.s32 $0x4;
	s3 =	sadd.s32 s3, s4  }
0x6e: {  	[tilespmem:s28], [sflag:$0x4] =	stream.strided.gather [hbm4b:s3+s25], $0x300, s26, s25, $0x38;
	[tilespmem:$0xF00] =	vst v63  }
0x6f: {  	_ =	swait.ge [sflag:s29], $0x300  }
0x70: {  	[sflag:s29] =	ssyncset.done $0x0  }
0x71: {  	s30 =	simm.s32 $0x3;
	[sflag:s29] =	ssyncadd.s32 $0xFFFFFD00  }
0x72: {  	_ =	swait.ge [sflag:s30], $0x380  }
0x73: {  	[sflag:s30] =	ssyncset.done $0x0  }
0x74: {  	s31 =	simm.s32 $0x0;
	[sflag:s30] =	ssyncadd.s32 $0xFFFFFC80  }
0x75: {  	v0 =	vld [tilespmem:s31+$0x830]  }
0x76: {  	v1 =	vld [tilespmem:s31+$0xB30]  }
0x77: {  	v4 =	vld [tilespmem:s31+$0x800]  }
0x78: {  	v5 =	vld [tilespmem:s31+$0xB00];
	_ =	sdelay $0x1  }
0x79: {  	v2 =	vld [tilespmem:s31+$0x810]  }
0x7a: {  	v6 =	vld [tilespmem:s31+$0xB10]  }
0x7b: {  	v3 =	vld [tilespmem:s31+$0x820];
	v0 =	vmul.f32 v1, v0  }
0x7c: {  	s3 =	simm.s32 $0x40;
	v8 =	vld [tilespmem:s31+$0xB20];
	v1 =	vimm.f32 $0.0e+00;
	v9 =	vmul.f32 v5, v4  }
0x7d: {  	s4 =	simm.s32 $0x200;
	v7 =	vld [tilespmem:s3+$0x830];
	v5 =	vimm.f32 $0.0e+00;
	v4 =	vimm.f32 $0.0e+00;
	v0 =	vadd.f32 v0, v1  }
.LBB2_6:
0x7e: {  	p0 =	sne.s32 s4, $0xB00;
	v10 =	vld [tilespmem:s3+$0xB30]  }
0x7f: {  	v11 =	vld [tilespmem:s3+$0x800];
	v1 =	vadd.f32 v9, v1;
	v6 =	vmul.f32 v6, v2  }
0x80: {  	v9 =	vld [tilespmem:s3+$0xB00]  }
.Ltmp3:
0x81: {  	v2 =	vld [tilespmem:s3+$0x810];
	v5 =	vadd.f32 v6, v5;
	v8 =	vmul.f32 v8, v3;
	(pc) =	sbr.rel @p0 .LBB2_6-.Ltmp3, $4  }
0x82: {  	v6 =	vld [tilespmem:s3+$0xB10]  }
0x83: {  	v3 =	vld [tilespmem:s3+$0x820];
	v10 =	vmul.f32 v10, v7;
	v4 =	vadd.f32 v8, v4  }
0x84: {  	v8 =	vld [tilespmem:s3+$0xB20];
	s3 =	sshra.s32 s4, $0x2  }
0x85: {  	s4 =	sadd.s32 $0x100, s4;
	v7 =	vld [tilespmem:s3+$0x830];
	v9 =	vmul.f32 v9, v11;
	v0 =	vadd.f32 v10, v0  }
0x86: {  	v10 =	vld [tilespmem:s3+$0xB30]  }
0x87: {  	v11 =	vld [tilespmem:s3+$0x800]  }
0x88: {  	v12 =	vld [tilespmem:s3+$0xB00]  }
0x89: {  	v13 =	vld [tilespmem:s3+$0x810]  }
0x8a: {  	v14 =	vld [tilespmem:s3+$0xB10]  }
0x8b: {  	v15 =	vld [tilespmem:s3+$0x820]  }
0x8c: {  	v16 =	vld [tilespmem:s3+$0xB20];
	_ =	sdelay $0x1  }
0x8d: {  	v2 =	vmul.f32 v6, v2  }
0x8e: {  	v1 =	vadd.f32 v9, v1;
	v3 =	vmul.f32 v8, v3  }
0x8f: {  	v2 =	vadd.f32 v2, v5;
	v58 =	vmul.f32 v10, v7;
	v59 =	vmul.f32 v12, v11  }
0x90: {  	v3 =	vadd.f32 v3, v4;
	v60 =	vmul.f32 v14, v13;
	v61 =	vmul.f32 v16, v15  }
0x91: {  	v0 =	vadd.f32 v58, v0;
	v1 =	vadd.f32 v59, v1  }
0x92: {  	v2 =	vadd.f32 v60, v2;
	v3 =	vadd.f32 v61, v3;
	_ =	sdelay $0x1  }
0x93: {  	v1 =	vadd.f32 v2, v1;
	v0 =	vadd.f32 v0, v3;
	_ =	sdelay $0x1  }
0x94: {  	v0 =	vadd.f32 v0, v1;
	_ =	sdelay $0x1  }
0x95: {  	(v2sf) =	vpush v0, $0x0  }
0x96: {  	(v2sf) =	vpush v0, $0x1  }
0x97: {  	(v2sf) =	vpush v0, $0x2  }
0x98: {  	(v2sf) =	vpush v0, $0x3  }
0x99: {  	(v2sf) =	vpush v0, $0x4  }
0x9a: {  	(v2sf) =	vpush v0, $0x5  }
0x9b: {  	(v2sf) =	vpush v0, $0x6  }
0x9c: {  	(v2sf) =	vpush v0, $0x7  }
0x9d: {  	(v2sf) =	vpush v0, $0x8  }
0x9e: {  	(v2sf) =	vpush v0, $0x9  }
0x9f: {  	(v2sf) =	vpush v0, $0xA  }
0xa0: {  	(v2sf) =	vpush v0, $0xB  }
0xa1: {  	(v2sf) =	vpush v0, $0xC  }
0xa2: {  	(v2sf) =	vpush v0, $0xD  }
0xa3: {  	(v2sf) =	vpush v0, $0xE  }
0xa4: {  	s19 =	spop (v2sf);
	(v2sf) =	vpush v0, $0xF  }
0xa5: {  	s4 =	spop (v2sf)  }
0xa6: {  	s5 =	spop (v2sf)  }
0xa7: {  	v62 =	vld [tilespmem:$0xE00];
	s6 =	spop (v2sf)  }
0xa8: {  	s7 =	spop (v2sf)  }
0xa9: {  	s8 =	spop (v2sf)  }
0xaa: {  	s9 =	spop (v2sf)  }
0xab: {  	s3 =	sadd.f32 s4, s19;
	s10 =	spop (v2sf)  }
0xac: {  	(v2sf) =	vpush v62, $0x0;
	s5 =	sadd.f32 s6, s5;
	s11 =	spop (v2sf)  }
0xad: {  	s7 =	sadd.f32 s8, s7;
	s12 =	spop (v2sf)  }
0xae: {  	s3 =	sadd.f32 s5, s3;
	s20 =	spop (v2sf)  }
0xaf: {  	s9 =	sadd.f32 s10, s9;
	s21 =	spop (v2sf)  }
0xb0: {  	s11 =	sadd.f32 s12, s11;
	s22 =	spop (v2sf)  }
0xb1: {  	s26 =	sadd.f32 s9, s7;
	s23 =	spop (v2sf)  }
0xb2: {  	s4 =	sadd.f32 s21, s20;
	s24 =	spop (v2sf)  }
0xb3: {  	s8 =	sadd.f32 s23, s22;
	s25 =	spop (v2sf)  }
0xb4: {  	s6 =	sadd.f32 s25, s24  }
0xb5: {  	s4 =	sadd.f32 s4, s11  }
0xb6: {  	s6 =	sadd.f32 s6, s8  }
0xb7: {  	s3 =	sadd.f32 s26, s3  }
0xb8: {  	s4 =	sadd.f32 s6, s4;
	_ =	sdelay $0x1  }
0xb9: {  	s3 =	sadd.f32 s4, s3  }
0xba: {  	s28 =	spop (v2sf)  }
0xbb: {  	s3 =	sadd.f32 s28, s3;
	_ =	sdelay $0x1  }
0xbc: {  	v63 =	vmov s3  }
0xbd: {  	s29 =	simm.s32 $0x0;
	s30 =	simm.s32 $0xE80;
	s31 =	simm.s32 $0x4;
	[tilespmem:$0xE80] =	vst v63  }
0xbe: {  	[hbm4b:s2+s29] =	stream.linear.scatter [tilespmem:s30], [sflag:$0x4], $0x80, $0x38;
	[tilespmem:$0xF00] =	vst v63  }
0xbf: {  	_ =	swait.ge [sflag:s31], $0x80  }
0xc0: {  	[sflag:s31] =	ssyncset.done $0x0  }
0xc1: {  	[sflag:s31] =	ssyncadd.s32 $0xFFFFFF80  }
.LBB2_8:
0xc2: {  	_ =	sfence.sel $0x180000  }
0xc3: {  	[bflag:$0x0] =	sbarrier.arrive $0xFFFF  }
0xc4: {  	p0 =	sne.s32 s1, $0x0;
	_ =	strace $0x90000047  }
0xc5: {  	s0 =	sadd.s32 @!p0 $0x100000, s0;
	[bflag:$0x2] =	sbarrier.arrive $0xFFFF  }
0xc6: {  	[sflag:s0] =	ssyncadd.tile.s32 @!p0 $0x1;
	_ =	shalt  }
.Lfunc_end2:
_tile_overlayer_lowered:
.L_overlay_start_2:
0xc7: {  	(tag) =	ssettag $0x2  }
0xc8: {  	s0 =	rddreg [dreg:$0x0];
	s2 =	stileid.u32  }
0xc9: {  	s1 =	rddreg [dreg:$0x1];
	p0 =	sne.s32 s2, $0x0  }
0xca: {  	s3 =	rddreg [dreg:$0x2];
	[bflag:$0x3] =	sbarrier.arrive $0xFFFF;
	s2 =	simm.s32 @!p0 $0x1C04  }
0xcb: {  	[timem:s3], [sflag:s2] =	dma.local @!p0 [hbm:s0], s1  }
0xcc: {  	s0 =	simm.s32 @!p0 $0x4  }
0xcd: {  	_ =	swait.ge @!p0 [sflag:s0], s1  }
0xce: {  	s1 =	ssub.s32 @!p0 $0x0, s1;
	[sflag:s0] =	ssyncset.done @!p0 $0x0  }
0xcf: {  	[sflag:s0] =	ssyncadd.s32 @!p0 s1  }
0xd0: {  	[bflag:$0x3] =	sbarrier.arrive $0xFFFF  }
0xd1: {  	_ =	shalt  }

</sc_bundles>
